<compile_context>
chip_gen: v7x
topology: tpu7x:2x2x1
jax: 0.10.2.dev20260603
libtpu: 0.0.44.dev20260713+nightly
codegen_flags: <defaults>
</compile_context>

<pallas_src>
import functools

import jax
import jax.numpy as jnp
from jax import lax
from jax.experimental import pallas as pl
from jax.experimental.pallas import tpu as pltpu
from jax.experimental.pallas import tpu_sc as plsc

B = 256
S = 200
ED = 64
H = 128
B2 = 2 * B
TIMEN = 168

NW = 32
HALF_PER_W = B * S // NW
CHUNK = 800
U_PER_W = B2 // NW


def _sc_gather_loc_user(loc_idx, u_idx, loc_table, gat_embedding):
    @functools.partial(
        pl.kernel,
        out_type=[
            jax.ShapeDtypeStruct((B * S, 2 * ED), jnp.float32),
            jax.ShapeDtypeStruct((B, 2 * ED), jnp.float32),
        ],
        mesh=plsc.VectorSubcoreMesh(core_axis_name="c", subcore_axis_name="s"),
        scratch_types=[
            [pltpu.VMEM((CHUNK,), jnp.int32)] * 2,
            [pltpu.VMEM((CHUNK, ED), jnp.float32)] * 2,
            pltpu.VMEM((U_PER_W,), jnp.int32),
            pltpu.VMEM((U_PER_W, ED), jnp.float32),
            [pltpu.SemaphoreType.DMA] * 2,
            [pltpu.SemaphoreType.DMA] * 2,
            pltpu.SemaphoreType.DMA,
        ],
        compiler_params=pltpu.CompilerParams(use_tc_tiling_on_sc=False),
    )
    def gather_kernel(loc_idx_h, u_idx_h, loc_t_h, gat_h, e_out,
                      u_out, idx_v, rows_v, uidx_v, urows_v, gsems, wsems,
                      usem):
        wid = lax.axis_index("s") * 2 + lax.axis_index("c")
        ubase = wid * U_PER_W
        pltpu.sync_copy(u_idx_h.at[pl.ds(ubase, U_PER_W)], uidx_v)
        uh = pltpu.async_copy(gat_h.at[uidx_v], urows_v, usem)

        nch = HALF_PER_W // CHUNK
        work = [(B * S * h, h * ED, j)
                for h in (0, 1)
                for j in range(nch)]
        gh = [None, None]
        wh = [None, None]
        pend = [None, None]
        for j in range(len(work) + 1):
            if j < len(work):
                bb = j % 2
                if wh[bb] is not None:
                    wh[bb].wait()
                off, col, cj = work[j]
                base = wid * HALF_PER_W + cj * CHUNK
                pltpu.sync_copy(loc_idx_h.at[pl.ds(off + base, CHUNK)],
                                idx_v[bb])
                gh[bb] = pltpu.async_copy(loc_t_h.at[idx_v[bb]], rows_v[bb],
                                          gsems[bb])
                pend[bb] = (col, base)
            if j >= 1:
                pb = (j - 1) % 2
                gh[pb].wait()
                col, base = pend[pb]
                wh[pb] = pltpu.async_copy(
                    rows_v[pb],
                    e_out.at[pl.ds(base, CHUNK), pl.ds(col, ED)],
                    wsems[pb])
        for h in wh:
            if h is not None:
                h.wait()
        uh.wait()
        is_u2 = (wid >= NW // 2).astype(jnp.int32)
        urow = ubase - B * is_u2
        ucol = ED * is_u2
        pltpu.sync_copy(urows_v,
                        u_out.at[pl.ds(urow, U_PER_W), pl.ds(ucol, ED)])

    return gather_kernel(loc_idx, u_idx, loc_table, gat_embedding)


COS_BATCH = 8


def _cos_topmax(length_1, length_2, emb):
    def body(l1_ref, l2_ref, e_ref, hang_ref, lie_ref):
        b0 = pl.program_id(0) * COS_BATCH
        neg = jnp.float32(-jnp.inf)
        x = e_ref[...]
        e1a = x[:, 0:ED]
        e2a = x[:, ED:2 * ED]
        r1a = lax.rsqrt(jnp.sum(e1a * e1a, axis=1, keepdims=True))
        r2a = lax.rsqrt(jnp.sum(e2a * e2a, axis=1, keepdims=True))
        n1a = (e1a * r1a).astype(jnp.bfloat16)
        n2a = (e2a * r2a).astype(jnp.bfloat16)
        hang_cols = []
        lie_rows = []
        for i in range(COS_BATCH):
            cos = lax.dot_general(n1a[i * S:(i + 1) * S, :],
                                  n2a[i * S:(i + 1) * S, :],
                                  (((1,), (1,)), ((), ())),
                                  preferred_element_type=jnp.float32)
            l1 = l1_ref[b0 + i]
            l2 = l2_ref[b0 + i]
            row_id = lax.broadcasted_iota(jnp.int32, (S, S), 0)
            col_id = lax.broadcasted_iota(jnp.int32, (S, S), 1)
            hang_full = jnp.max(jnp.where(col_id < l2, cos, neg), axis=1,
                                keepdims=True)
            rmask = lax.broadcasted_iota(jnp.int32, (S, 1), 0) < l1
            hang_cols.append(jnp.where(rmask, hang_full, 0.0))
            lie_full = jnp.max(jnp.where(row_id < l1, cos, neg), axis=0,
                               keepdims=True)
            cmask = lax.broadcasted_iota(jnp.int32, (1, S), 1) < l2
            lie_rows.append(jnp.where(cmask, lie_full, 0.0))
        hang_ref[...] = jnp.concatenate(hang_cols, axis=1).T
        lie_ref[...] = jnp.concatenate(lie_rows, axis=0)

    return pl.pallas_call(
        body,
        grid=(B // COS_BATCH,),
        in_specs=[
            pl.BlockSpec(memory_space=pltpu.SMEM),
            pl.BlockSpec(memory_space=pltpu.SMEM),
            pl.BlockSpec((COS_BATCH * S, 2 * ED), lambda b: (b, 0)),
        ],
        out_specs=[
            pl.BlockSpec((COS_BATCH, S), lambda b: (b, 0)),
            pl.BlockSpec((COS_BATCH, S), lambda b: (b, 0)),
        ],
        out_shape=[
            jax.ShapeDtypeStruct((B, S), jnp.float32),
            jax.ShapeDtypeStruct((B, S), jnp.float32),
        ],
    )(length_1, length_2, emb)


LSTM_UNROLL = 10


def _lstm_loss(w_s, b_s, tgt, lens, time_table, W_ihT, W_hhT, b_tot, tv_row):
    def body(w_ref, b0_ref, tgt_ref, len_ref, tt_ref, wih_ref, whh_ref,
             bt_ref, tv_ref, seq_out, fs_out, h_s, c_s, seq_s, fs_s, proj_s):
        pid = pl.program_id(0)

        @pl.when(pid == 0)
        def _():
            h_s[...] = jnp.zeros_like(h_s)
            c_s[...] = jnp.zeros_like(c_s)
            seq_s[...] = jnp.zeros_like(seq_s)
            fs_s[...] = jnp.zeros_like(fs_s)
            proj_s[...] = lax.dot_general(
                tt_ref[...].astype(jnp.bfloat16), wih_ref[...],
                (((1,), (0,)), ((), ())),
                preferred_element_type=jnp.float32).astype(jnp.bfloat16)

        w = w_ref[0, 0]
        b0 = b0_ref[0, 0]
        lm1 = len_ref[...] - 1
        hb = h_s[...]
        c = c_s[...]
        seq = seq_s[...]
        fs = fs_s[...]
        for u in range(LSTM_UNROLL):
            step = pid * LSTM_UNROLL + u
            ri = lax.broadcasted_iota(jnp.int32, (2 * S, 2), 0)
            ci = lax.broadcasted_iota(jnp.int32, (2 * S, 2), 1)
            sel = (ri == step + S * ci).astype(jnp.bfloat16)
            tc2 = lax.dot_general(tgt_ref[...], sel, (((1,), (0,)), ((), ())),
                                  preferred_element_type=jnp.float32)
            tgv = tc2[:, 0:1]
            onehot = (tc2[:, 1:2].astype(jnp.int32)
                      == lax.broadcasted_iota(jnp.int32, (B2, TIMEN), 1)
                      ).astype(jnp.bfloat16)
            gates = (lax.dot_general(onehot, proj_s[...],
                                     (((1,), (0,)), ((), ())),
                                     preferred_element_type=jnp.float32)
                     + lax.dot_general(hb, whh_ref[...],
                                       (((1,), (0,)), ((), ())),
                                       preferred_element_type=jnp.float32)
                     + bt_ref[...])
            gi = jax.nn.sigmoid(gates[:, 0:H])
            gf = jax.nn.sigmoid(gates[:, H:2 * H])
            gg = jnp.tanh(gates[:, 2 * H:3 * H])
            go = jax.nn.sigmoid(gates[:, 3 * H:4 * H])
            c = gf * c + gi * gg
            h = go * jnp.tanh(c)
            hb = h.astype(jnp.bfloat16)

            p1 = jnp.sum(h * tv_ref[...], axis=1, keepdims=True)
            p2 = w * tgv
            f1 = (p1 + p2 + b0
                  + (jnp.exp(p1 + b0) - jnp.exp(p1 + p2 + b0)) / w)
            fs = fs + jnp.where(step < lm1, f1, 0.0)
            seq = jnp.where(lm1 == step, h, seq)
        h_s[...] = hb
        c_s[...] = c
        seq_s[...] = seq
        fs_s[...] = fs

        @pl.when(pid == S // LSTM_UNROLL - 1)
        def _():
            seq_out[...] = seq
            fs_out[...] = fs

    return pl.pallas_call(
        body,
        grid=(S // LSTM_UNROLL,),
        in_specs=[
            pl.BlockSpec(memory_space=pltpu.SMEM),
            pl.BlockSpec(memory_space=pltpu.SMEM),
            pl.BlockSpec((B2, 2 * S), lambda s: (0, 0)),
            pl.BlockSpec((B2, 1), lambda s: (0, 0)),
            pl.BlockSpec((TIMEN, ED), lambda s: (0, 0)),
            pl.BlockSpec((ED, 4 * H), lambda s: (0, 0)),
            pl.BlockSpec((H, 4 * H), lambda s: (0, 0)),
            pl.BlockSpec((1, 4 * H), lambda s: (0, 0)),
            pl.BlockSpec((1, H), lambda s: (0, 0)),
        ],
        out_specs=[
            pl.BlockSpec((B2, H), lambda s: (0, 0)),
            pl.BlockSpec((B2, 1), lambda s: (0, 0)),
        ],
        out_shape=[
            jax.ShapeDtypeStruct((B2, H), jnp.float32),
            jax.ShapeDtypeStruct((B2, 1), jnp.float32),
        ],
        scratch_shapes=[
            pltpu.VMEM((B2, H), jnp.bfloat16),
            pltpu.VMEM((B2, H), jnp.float32),
            pltpu.VMEM((B2, H), jnp.float32),
            pltpu.VMEM((B2, 1), jnp.float32),
            pltpu.VMEM((TIMEN, 4 * H), jnp.bfloat16),
        ],
    )(w_s, b_s, tgt, lens, time_table, W_ihT, W_hhT, b_tot, tv_row)


def _final(hang, lie, seq, u_emb, fsum, lens, w_hang, w_lie, w_time, w_u,
           fcb):
    def body(hang_ref, lie_ref, seq_ref, u_ref, fs_ref, len_ref, wh_ref,
             wl_ref, wt_ref, wu_ref, fb_ref, out_ref, tl_ref):
        th = jnp.tanh(seq_ref[0:B, :] * seq_ref[B:B2, :])
        tu = jnp.tanh(u_ref[:, 0:ED] * u_ref[:, ED:2 * ED])

        def dn(a, w):
            return lax.dot_general(a, w, (((1,), (0,)), ((), ())),
                                   preferred_element_type=jnp.float32)

        out_ref[...] = (dn(hang_ref[...], wh_ref[...])
                        + dn(lie_ref[...], wl_ref[...])
                        + dn(th, wt_ref[...])
                        + dn(tu, wu_ref[...])
                        + fb_ref[...])
        r = fs_ref[...] / (len_ref[...] - 1).astype(jnp.float32)
        tl_ref[...] = (-jnp.sum(r) / B).reshape(1, 1)

    return pl.pallas_call(
        body,
        out_shape=[
            jax.ShapeDtypeStruct((B, 2), jnp.float32),
            jax.ShapeDtypeStruct((1, 1), jnp.float32),
        ],
    )(hang, lie, seq, u_emb, fsum, lens, w_hang, w_lie, w_time, w_u, fcb)


def kernel(u1, u2, length_1, length_2, loc_1, loc_2, time_1, time_2,
           time_gap_1, time_gap_2, loc_table, time_table, W_ih, W_hh, b_ih,
           b_hh, time_v, time_w, time_b, gat_embedding, fc_W, fc_b):
    loc_idx = jnp.concatenate([loc_1.reshape(-1),
                               loc_2.reshape(-1)]).astype(jnp.int32)
    u_idx = jnp.concatenate([u1, u2]).astype(jnp.int32)
    emb, emb_u = _sc_gather_loc_user(loc_idx, u_idx, loc_table,
                                     gat_embedding)

    l1 = length_1.astype(jnp.int32)
    l2 = length_2.astype(jnp.int32)
    hang, lie = _cos_topmax(l1, l2, emb)

    times_f = jnp.concatenate([time_1, time_2], axis=0).astype(jnp.float32)
    zero_col = jnp.zeros((B, 1), time_gap_1.dtype)
    tg1 = jnp.concatenate([time_gap_1[:, 1:], zero_col], axis=1)
    tg2 = jnp.concatenate([time_gap_2[:, 1:], zero_col], axis=1)
    tgt = jnp.concatenate([jnp.concatenate([tg1, tg2], axis=0), times_f],
                          axis=1).astype(jnp.bfloat16)
    lens = jnp.concatenate([l1, l2]).reshape(B2, 1)
    seq, fsum = _lstm_loss(time_w, time_b, tgt, lens, time_table,
                           W_ih.T.astype(jnp.bfloat16),
                           W_hh.T.astype(jnp.bfloat16),
                           (b_ih + b_hh).reshape(1, 4 * H),
                           time_v.reshape(1, H))

    outs, tl = _final(hang, lie, seq, emb_u, fsum, lens, fc_W[0:S],
                      fc_W[S:2 * S], fc_W[2 * S:2 * S + H],
                      fc_W[2 * S + H:], fc_b.reshape(1, 2))
    return (outs, tl.reshape(()))

# --- scband reference (transcript-rebuilt; emitter-appended) ---
"""Pipeline reference for scband-my-model-34720515621233 (READ-ONLY COPY).

The authoritative reference and input builder live on the scoring server;
editing this copy changes nothing except your own understanding.
"""

import jax, jax.numpy as jnp
import numpy as np

B = 256
S = 200
TOP = 200
LOCN = 100000
TIMEN = 168
USERN = 10000
ED = 64
H = 128


def make_position_encoding(batch, length, n_units, f=100.0):
    position_block = np.broadcast_to(np.arange(length)[None, None, :], (batch, n_units // 2, length)).astype('f')
    unit_block = np.broadcast_to(np.arange(n_units // 2)[None, :, None], (batch, n_units // 2, length)).astype('f')
    rad_block = position_block / (f * 1.0) ** (unit_block / (n_units // 2))
    return np.concatenate([np.sin(rad_block), np.cos(rad_block)], axis=1)


def lstm_forward(x, W_ih, W_hh, b_ih, b_hh):
    Bb = x.shape[0]
    Hh = W_hh.shape[1]
    h0 = jnp.zeros((Bb, Hh), x.dtype)
    c0 = jnp.zeros((Bb, Hh), x.dtype)

    def step(carry, xt):
        h, c = carry
        gates = xt @ W_ih.T + b_ih + h @ W_hh.T + b_hh
        i, f_, g, o = jnp.split(gates, 4, axis=1)
        i = jax.nn.sigmoid(i)
        f_ = jax.nn.sigmoid(f_)
        g = jnp.tanh(g)
        o = jax.nn.sigmoid(o)
        c = f_ * c + i * g
        h = o * jnp.tanh(c)
        return (h, c), h

    _, hs = jax.lax.scan(step, (h0, c0), jnp.swapaxes(x, 0, 1))
    return jnp.swapaxes(hs, 0, 1)


def get_time_gap_process(length_np, hidden_out, time_gap, time_v, time_w, time_b):
    tg = jnp.concatenate([time_gap[:, 1:], jnp.zeros((time_gap.shape[0], 1), time_gap.dtype)], axis=-1)
    p1 = jnp.einsum('bld,do->blo', hidden_out, time_v)[..., 0]
    w = time_w[0, 0]
    b = time_b[0, 0]
    p2 = w * tg
    p3 = (1.0 / w) * jnp.exp(p1 + b)
    p4 = (1.0 / w) * jnp.exp(p1 + p2 + b)
    f1 = p1 + p2 + b + p3 - p4
    Ls = f1.shape[1]
    valid = jnp.arange(Ls)[None, :] < (length_np[:, None] - 1)
    counts = (length_np - 1).astype(f1.dtype)
    means = jnp.sum(jnp.where(valid, f1, jnp.zeros((), f1.dtype)), axis=1) / counts
    loss = 0.0
    for bi in range(hidden_out.shape[0]):
        loss = loss + means[bi]
    return -loss / hidden_out.shape[0]


def setup_inputs(seed: int = 0):
    key = jax.random.key(seed)
    ks = [jax.random.fold_in(key, i) for i in range(20)]
    inp = {}
    inp['u1'] = jax.random.randint(ks[0], (B,), 0, USERN)
    inp['u2'] = jax.random.randint(ks[1], (B,), 0, USERN)
    inp['length_1'] = jax.random.randint(ks[2], (B,), 2, S + 1)
    inp['length_2'] = jax.random.randint(ks[3], (B,), 2, S + 1)
    inp['loc_1'] = jax.random.randint(ks[4], (B, S), 0, LOCN + 1)
    inp['loc_2'] = jax.random.randint(ks[5], (B, S), 0, LOCN + 1)
    inp['time_1'] = jax.random.randint(ks[6], (B, S), 0, TIMEN)
    inp['time_2'] = jax.random.randint(ks[7], (B, S), 0, TIMEN)
    inp['time_gap_1'] = jax.random.uniform(ks[8], (B, S), jnp.float32)
    inp['time_gap_2'] = jax.random.uniform(ks[9], (B, S), jnp.float32)
    inp['loc_table'] = jax.random.normal(ks[10], (LOCN + 1, ED), jnp.float32) * 0.1
    inp['time_table'] = jnp.asarray(make_position_encoding(1, TIMEN, ED, 100.0)[0].T)
    inp['W_ih'] = jax.random.normal(ks[11], (4 * H, ED), jnp.float32) * 0.05
    inp['W_hh'] = jax.random.normal(ks[12], (4 * H, H), jnp.float32) * 0.05
    inp['b_ih'] = jnp.zeros((4 * H,), jnp.float32)
    inp['b_hh'] = jnp.zeros((4 * H,), jnp.float32)
    inp['time_v'] = jax.random.uniform(ks[13], (H, 1), jnp.float32, -0.1, 0.1)
    inp['time_w'] = jax.random.uniform(ks[14], (1, 1), jnp.float32, 0.05, 0.1)
    inp['time_b'] = jax.random.uniform(ks[15], (1, 1), jnp.float32, -0.1, 0.1)
    inp['gat_embedding'] = jax.random.normal(ks[16], (USERN, ED), jnp.float32)
    inp['fc_W'] = jax.random.normal(ks[17], (2 * TOP + H + ED, 2), jnp.float32) * 0.05
    inp['fc_b'] = jnp.zeros((2,), jnp.float32)
    return inp


def reference(u1, u2, length_1, length_2, loc_1, loc_2, time_1, time_2, time_gap_1, time_gap_2,
              loc_table, time_table, W_ih, W_hh, b_ih, b_hh, time_v, time_w, time_b,
              gat_embedding, fc_W, fc_b):
    emb1 = jnp.take(loc_table, loc_1, axis=0)
    emb2 = jnp.take(loc_table, loc_2, axis=0)
    n1 = jnp.sqrt(jnp.sum(emb1 ** 2, axis=2))
    n2 = jnp.sqrt(jnp.sum(emb2 ** 2, axis=2))
    ji = n1[:, :, None] * n2[:, None, :]
    cos_matrix = jnp.einsum('bld,bmd->blm', emb1, emb2) / ji
    idx1 = jnp.arange(cos_matrix.shape[1])
    idx2 = jnp.arange(cos_matrix.shape[2])
    row_valid = idx1[None, :] < length_1[:, None]
    col_valid = idx2[None, :] < length_2[:, None]
    neg_inf = jnp.asarray(-jnp.inf, cos_matrix.dtype)
    zero = jnp.zeros((), cos_matrix.dtype)
    hang_full = jnp.max(jnp.where(col_valid[:, None, :], cos_matrix, neg_inf), axis=2)
    hang = jnp.where(row_valid, hang_full, zero)[:, :TOP]
    lie_full = jnp.max(jnp.where(row_valid[:, :, None], cos_matrix, neg_inf), axis=1)
    lie = jnp.where(col_valid, lie_full, zero)[:, :TOP]
    matrix_ans = jnp.concatenate([hang, lie], axis=1)
    te1 = jnp.take(time_table, time_1, axis=0)
    te2 = jnp.take(time_table, time_2, axis=0)
    h1 = lstm_forward(te1, W_ih, W_hh, b_ih, b_hh)
    h2 = lstm_forward(te2, W_ih, W_hh, b_ih, b_hh)
    loss_1 = get_time_gap_process(length_1, h1, time_gap_1, time_v, time_w, time_b)
    loss_2 = get_time_gap_process(length_2, h2, time_gap_2, time_v, time_w, time_b)
    time_loss = loss_1 + loss_2
    bidx = jnp.arange(h1.shape[0])
    seq1 = h1[bidx, length_1 - 1, :]
    seq2 = h2[bidx, length_2 - 1, :]
    time_ans = seq1 * seq2
    u1_emb = jnp.take(gat_embedding, u1, axis=0)
    u2_emb = jnp.take(gat_embedding, u2, axis=0)
    u_hadamard = u1_emb * u2_emb
    feats = jnp.concatenate([matrix_ans, jnp.tanh(time_ans), jnp.tanh(u_hadamard)], axis=1)
    outs = feats @ fc_W + fc_b
    return (outs, time_loss)

if __name__ == "__main__":
    import jax
    _d = setup_inputs()
    print(jax.jit(kernel)(*tuple(_d.values())))

</pallas_src>

<mosaic_0001>
#map = affine_map<(d0, d1) -> (0)>
#map1 = affine_map<(d0, d1) -> (0, 0)>
module attributes {stable_mosaic.version = 14 : i64} {
  func.func @gather_kernel(%arg0: i32, %arg1: i32, %arg2: memref<102400xi32, #tpu.memory_space<hbm>>, %arg3: memref<512xi32, #tpu.memory_space<hbm>>, %arg4: memref<100001x64xf32, #tpu.memory_space<hbm>>, %arg5: memref<10000x64xf32, #tpu.memory_space<hbm>>, %arg6: memref<51200x128xf32, #tpu.memory_space<hbm>>, %arg7: memref<256x128xf32, #tpu.memory_space<hbm>>, %arg8: memref<800xi32, #tpu.memory_space<vmem>>, %arg9: memref<800xi32, #tpu.memory_space<vmem>>, %arg10: memref<800x64xf32, #tpu.memory_space<vmem>>, %arg11: memref<800x64xf32, #tpu.memory_space<vmem>>, %arg12: memref<16xi32, #tpu.memory_space<vmem>>, %arg13: memref<16x64xf32, #tpu.memory_space<vmem>>, %arg14: memref<!tpu.dma_semaphore, #tpu.memory_space<semaphore_mem>>, %arg15: memref<!tpu.dma_semaphore, #tpu.memory_space<semaphore_mem>>, %arg16: memref<!tpu.dma_semaphore, #tpu.memory_space<semaphore_mem>>, %arg17: memref<!tpu.dma_semaphore, #tpu.memory_space<semaphore_mem>>, %arg18: memref<!tpu.dma_semaphore, #tpu.memory_space<semaphore_mem>>) attributes {dimension_semantics = [#tpu.dimension_semantics<core_parallel>, #tpu.dimension_semantics<subcore_parallel>], iteration_bounds = array<i64: 2, 16>, scalar_prefetch = 0 : i64, scratch_operands = 11 : i64, tpu.core_type = #tpu.core_type<sc_vector_subcore>, window_params = [{transform_indices = #map}, {transform_indices = #map}, {transform_indices = #map1}, {transform_indices = #map1}, {transform_indices = #map1}, {transform_indices = #map1}]} {
    %mul3A = arith.constant 2 : i32
    %mul3A_0 = arith.muli %arg1, %mul3A : i32
    %add3A = arith.addi %mul3A_0, %arg0 : i32
    %mul3A_1 = arith.constant 16 : i32
    %mul3A_2 = arith.muli %add3A, %mul3A_1 : i32
    "tpu.region"() ({
      %run_scoped3A = tpu.sem_alloc : memref<!tpu.dma_semaphore, #tpu.memory_space<semaphore_mem>>
      %dma_start3A_92 = tpu.memref_slice %arg3[%mul3A_2] : memref<512xi32, #tpu.memory_space<hbm>> -> memref<16xi32, #tpu.memory_space<hbm>>
      %dma_start3A_93 = tpu.memref_slice %arg3[%mul3A_2] : memref<512xi32, #tpu.memory_space<hbm>> -> memref<16xi32, #tpu.memory_space<hbm>>
      tpu.enqueue_dma source(%dma_start3A_93 : memref<16xi32, #tpu.memory_space<hbm>>) target(%arg12 : memref<16xi32, #tpu.memory_space<vmem>>) target_semaphore(%run_scoped3A : memref<!tpu.dma_semaphore, #tpu.memory_space<semaphore_mem>>)
      %dma_wait3A_94 = tpu.memref_slice %arg3[%mul3A_2] : memref<512xi32, #tpu.memory_space<hbm>> -> memref<16xi32, #tpu.memory_space<hbm>>
      %dma_wait3A_95 = tpu.memref_slice %arg3[%mul3A_2] : memref<512xi32, #tpu.memory_space<hbm>> -> memref<16xi32, #tpu.memory_space<hbm>>
      tpu.wait_dma2 semaphore(%run_scoped3A : memref<!tpu.dma_semaphore, #tpu.memory_space<semaphore_mem>>) src(%dma_wait3A_95 : memref<16xi32, #tpu.memory_space<hbm>>) dst(%arg12 : memref<16xi32, #tpu.memory_space<vmem>>)
      tpu.yield
    }) : () -> ()
    %dma_start3A = arith.constant 0 : i32
    %dma_start3A_3 = arith.constant 0 : i32
    %dma_start3A_4 = tpu.memref_slice %arg5[%dma_start3A, %dma_start3A_3] : memref<10000x64xf32, #tpu.memory_space<hbm>> -> memref<10000x64xf32, #tpu.memory_space<hbm>>
    tpu.enqueue_indirect_dma source(%dma_start3A_4 : memref<10000x64xf32, #tpu.memory_space<hbm>>) target(%arg13 : memref<16x64xf32, #tpu.memory_space<vmem>>) offsets(%arg12 : memref<16xi32, #tpu.memory_space<vmem>>) semaphore(%arg18 : memref<!tpu.dma_semaphore, #tpu.memory_space<semaphore_mem>>)
    %mul3A_5 = arith.constant 1600 : i32
    %mul3A_6 = arith.muli %add3A, %mul3A_5 : i32
    %add3A_7 = arith.constant 0 : i32
    %add3A_8 = arith.addi %mul3A_6, %add3A_7 : i32
    %add3A_9 = arith.constant 0 : i32
    %add3A_10 = arith.addi %add3A_9, %add3A_8 : i32
    "tpu.region"() ({
      %run_scoped3A = tpu.sem_alloc : memref<!tpu.dma_semaphore, #tpu.memory_space<semaphore_mem>>
      %dma_start3A_92 = tpu.memref_slice %arg2[%add3A_10] : memref<102400xi32, #tpu.memory_space<hbm>> -> memref<800xi32, #tpu.memory_space<hbm>>
      %dma_start3A_93 = tpu.memref_slice %arg2[%add3A_10] : memref<102400xi32, #tpu.memory_space<hbm>> -> memref<800xi32, #tpu.memory_space<hbm>>
      tpu.enqueue_dma source(%dma_start3A_93 : memref<800xi32, #tpu.memory_space<hbm>>) target(%arg8 : memref<800xi32, #tpu.memory_space<vmem>>) target_semaphore(%run_scoped3A : memref<!tpu.dma_semaphore, #tpu.memory_space<semaphore_mem>>)
      %dma_wait3A_94 = tpu.memref_slice %arg2[%add3A_10] : memref<102400xi32, #tpu.memory_space<hbm>> -> memref<800xi32, #tpu.memory_space<hbm>>
      %dma_wait3A_95 = tpu.memref_slice %arg2[%add3A_10] : memref<102400xi32, #tpu.memory_space<hbm>> -> memref<800xi32, #tpu.memory_space<hbm>>
      tpu.wait_dma2 semaphore(%run_scoped3A : memref<!tpu.dma_semaphore, #tpu.memory_space<semaphore_mem>>) src(%dma_wait3A_95 : memref<800xi32, #tpu.memory_space<hbm>>) dst(%arg8 : memref<800xi32, #tpu.memory_space<vmem>>)
      tpu.yield
    }) : () -> ()
    %dma_start3A_11 = arith.constant 0 : i32
    %dma_start3A_12 = arith.constant 0 : i32
    %dma_start3A_13 = tpu.memref_slice %arg4[%dma_start3A_11, %dma_start3A_12] : memref<100001x64xf32, #tpu.memory_space<hbm>> -> memref<100001x64xf32, #tpu.memory_space<hbm>>
    tpu.enqueue_indirect_dma source(%dma_start3A_13 : memref<100001x64xf32, #tpu.memory_space<hbm>>) target(%arg10 : memref<800x64xf32, #tpu.memory_space<vmem>>) offsets(%arg8 : memref<800xi32, #tpu.memory_space<vmem>>) semaphore(%arg14 : memref<!tpu.dma_semaphore, #tpu.memory_space<semaphore_mem>>)
    %mul3A_14 = arith.constant 1600 : i32
    %mul3A_15 = arith.muli %add3A, %mul3A_14 : i32
    %add3A_16 = arith.constant 800 : i32
    %add3A_17 = arith.addi %mul3A_15, %add3A_16 : i32
    %add3A_18 = arith.constant 0 : i32
    %add3A_19 = arith.addi %add3A_18, %add3A_17 : i32
    "tpu.region"() ({
      %run_scoped3A = tpu.sem_alloc : memref<!tpu.dma_semaphore, #tpu.memory_space<semaphore_mem>>
      %dma_start3A_92 = tpu.memref_slice %arg2[%add3A_19] : memref<102400xi32, #tpu.memory_space<hbm>> -> memref<800xi32, #tpu.memory_space<hbm>>
      %dma_start3A_93 = tpu.memref_slice %arg2[%add3A_19] : memref<102400xi32, #tpu.memory_space<hbm>> -> memref<800xi32, #tpu.memory_space<hbm>>
      tpu.enqueue_dma source(%dma_start3A_93 : memref<800xi32, #tpu.memory_space<hbm>>) target(%arg9 : memref<800xi32, #tpu.memory_space<vmem>>) target_semaphore(%run_scoped3A : memref<!tpu.dma_semaphore, #tpu.memory_space<semaphore_mem>>)
      %dma_wait3A_94 = tpu.memref_slice %arg2[%add3A_19] : memref<102400xi32, #tpu.memory_space<hbm>> -> memref<800xi32, #tpu.memory_space<hbm>>
      %dma_wait3A_95 = tpu.memref_slice %arg2[%add3A_19] : memref<102400xi32, #tpu.memory_space<hbm>> -> memref<800xi32, #tpu.memory_space<hbm>>
      tpu.wait_dma2 semaphore(%run_scoped3A : memref<!tpu.dma_semaphore, #tpu.memory_space<semaphore_mem>>) src(%dma_wait3A_95 : memref<800xi32, #tpu.memory_space<hbm>>) dst(%arg9 : memref<800xi32, #tpu.memory_space<vmem>>)
      tpu.yield
    }) : () -> ()
    %dma_start3A_20 = arith.constant 0 : i32
    %dma_start3A_21 = arith.constant 0 : i32
    %dma_start3A_22 = tpu.memref_slice %arg4[%dma_start3A_20, %dma_start3A_21] : memref<100001x64xf32, #tpu.memory_space<hbm>> -> memref<100001x64xf32, #tpu.memory_space<hbm>>
    tpu.enqueue_indirect_dma source(%dma_start3A_22 : memref<100001x64xf32, #tpu.memory_space<hbm>>) target(%arg11 : memref<800x64xf32, #tpu.memory_space<vmem>>) offsets(%arg9 : memref<800xi32, #tpu.memory_space<vmem>>) semaphore(%arg15 : memref<!tpu.dma_semaphore, #tpu.memory_space<semaphore_mem>>)
    %dma_wait3A = arith.constant 0 : i32
    %dma_wait3A_23 = arith.constant 0 : i32
    %dma_wait3A_24 = tpu.memref_slice %arg4[%dma_wait3A, %dma_wait3A_23] : memref<100001x64xf32, #tpu.memory_space<hbm>> -> memref<100001x64xf32, #tpu.memory_space<hbm>>
    tpu.wait_indirect_dma semaphore(%arg14 : memref<!tpu.dma_semaphore, #tpu.memory_space<semaphore_mem>>) src(%dma_wait3A_24 : memref<100001x64xf32, #tpu.memory_space<hbm>>) dst(%arg10 : memref<800x64xf32, #tpu.memory_space<vmem>>)
    %dma_start3A_25 = arith.constant 0 : i32
    %dma_start3A_26 = tpu.memref_slice %arg6[%add3A_8, %dma_start3A_25] : memref<51200x128xf32, #tpu.memory_space<hbm>> -> memref<800x64xf32, #tpu.memory_space<hbm>>
    %dma_start3A_27 = arith.constant 0 : i32
    %dma_start3A_28 = tpu.memref_slice %arg6[%add3A_8, %dma_start3A_27] : memref<51200x128xf32, #tpu.memory_space<hbm>> -> memref<800x64xf32, #tpu.memory_space<hbm>>
    tpu.enqueue_dma source(%arg10 : memref<800x64xf32, #tpu.memory_space<vmem>>) target(%dma_start3A_28 : memref<800x64xf32, #tpu.memory_space<hbm>>) target_semaphore(%arg16 : memref<!tpu.dma_semaphore, #tpu.memory_space<semaphore_mem>>)
    %dma_wait3A_29 = arith.constant 0 : i32
    %dma_wait3A_30 = tpu.memref_slice %arg6[%add3A_8, %dma_wait3A_29] : memref<51200x128xf32, #tpu.memory_space<hbm>> -> memref<800x64xf32, #tpu.memory_space<hbm>>
    %dma_wait3A_31 = arith.constant 0 : i32
    %dma_wait3A_32 = tpu.memref_slice %arg6[%add3A_8, %dma_wait3A_31] : memref<51200x128xf32, #tpu.memory_space<hbm>> -> memref<800x64xf32, #tpu.memory_space<hbm>>
    tpu.wait_dma2 semaphore(%arg16 : memref<!tpu.dma_semaphore, #tpu.memory_space<semaphore_mem>>) src(%arg10 : memref<800x64xf32, #tpu.memory_space<vmem>>) dst(%dma_wait3A_32 : memref<800x64xf32, #tpu.memory_space<hbm>>)
    %mul3A_33 = arith.constant 1600 : i32
    %mul3A_34 = arith.muli %add3A, %mul3A_33 : i32
    %add3A_35 = arith.constant 0 : i32
    %add3A_36 = arith.addi %mul3A_34, %add3A_35 : i32
    %add3A_37 = arith.constant 51200 : i32
    %add3A_38 = arith.addi %add3A_37, %add3A_36 : i32
    "tpu.region"() ({
      %run_scoped3A = tpu.sem_alloc : memref<!tpu.dma_semaphore, #tpu.memory_space<semaphore_mem>>
      %dma_start3A_92 = tpu.memref_slice %arg2[%add3A_38] : memref<102400xi32, #tpu.memory_space<hbm>> -> memref<800xi32, #tpu.memory_space<hbm>>
      %dma_start3A_93 = tpu.memref_slice %arg2[%add3A_38] : memref<102400xi32, #tpu.memory_space<hbm>> -> memref<800xi32, #tpu.memory_space<hbm>>
      tpu.enqueue_dma source(%dma_start3A_93 : memref<800xi32, #tpu.memory_space<hbm>>) target(%arg8 : memref<800xi32, #tpu.memory_space<vmem>>) target_semaphore(%run_scoped3A : memref<!tpu.dma_semaphore, #tpu.memory_space<semaphore_mem>>)
      %dma_wait3A_94 = tpu.memref_slice %arg2[%add3A_38] : memref<102400xi32, #tpu.memory_space<hbm>> -> memref<800xi32, #tpu.memory_space<hbm>>
      %dma_wait3A_95 = tpu.memref_slice %arg2[%add3A_38] : memref<102400xi32, #tpu.memory_space<hbm>> -> memref<800xi32, #tpu.memory_space<hbm>>
      tpu.wait_dma2 semaphore(%run_scoped3A : memref<!tpu.dma_semaphore, #tpu.memory_space<semaphore_mem>>) src(%dma_wait3A_95 : memref<800xi32, #tpu.memory_space<hbm>>) dst(%arg8 : memref<800xi32, #tpu.memory_space<vmem>>)
      tpu.yield
    }) : () -> ()
    %dma_start3A_39 = arith.constant 0 : i32
    %dma_start3A_40 = arith.constant 0 : i32
    %dma_start3A_41 = tpu.memref_slice %arg4[%dma_start3A_39, %dma_start3A_40] : memref<100001x64xf32, #tpu.memory_space<hbm>> -> memref<100001x64xf32, #tpu.memory_space<hbm>>
    tpu.enqueue_indirect_dma source(%dma_start3A_41 : memref<100001x64xf32, #tpu.memory_space<hbm>>) target(%arg10 : memref<800x64xf32, #tpu.memory_space<vmem>>) offsets(%arg8 : memref<800xi32, #tpu.memory_space<vmem>>) semaphore(%arg14 : memref<!tpu.dma_semaphore, #tpu.memory_space<semaphore_mem>>)
    %dma_wait3A_42 = arith.constant 0 : i32
    %dma_wait3A_43 = arith.constant 0 : i32
    %dma_wait3A_44 = tpu.memref_slice %arg4[%dma_wait3A_42, %dma_wait3A_43] : memref<100001x64xf32, #tpu.memory_space<hbm>> -> memref<100001x64xf32, #tpu.memory_space<hbm>>
    tpu.wait_indirect_dma semaphore(%arg15 : memref<!tpu.dma_semaphore, #tpu.memory_space<semaphore_mem>>) src(%dma_wait3A_44 : memref<100001x64xf32, #tpu.memory_space<hbm>>) dst(%arg11 : memref<800x64xf32, #tpu.memory_space<vmem>>)
    %dma_start3A_45 = arith.constant 0 : i32
    %dma_start3A_46 = tpu.memref_slice %arg6[%add3A_17, %dma_start3A_45] : memref<51200x128xf32, #tpu.memory_space<hbm>> -> memref<800x64xf32, #tpu.memory_space<hbm>>
    %dma_start3A_47 = arith.constant 0 : i32
    %dma_start3A_48 = tpu.memref_slice %arg6[%add3A_17, %dma_start3A_47] : memref<51200x128xf32, #tpu.memory_space<hbm>> -> memref<800x64xf32, #tpu.memory_space<hbm>>
    tpu.enqueue_dma source(%arg11 : memref<800x64xf32, #tpu.memory_space<vmem>>) target(%dma_start3A_48 : memref<800x64xf32, #tpu.memory_space<hbm>>) target_semaphore(%arg17 : memref<!tpu.dma_semaphore, #tpu.memory_space<semaphore_mem>>)
    %dma_wait3A_49 = arith.constant 0 : i32
    %dma_wait3A_50 = tpu.memref_slice %arg6[%add3A_17, %dma_wait3A_49] : memref<51200x128xf32, #tpu.memory_space<hbm>> -> memref<800x64xf32, #tpu.memory_space<hbm>>
    %dma_wait3A_51 = arith.constant 0 : i32
    %dma_wait3A_52 = tpu.memref_slice %arg6[%add3A_17, %dma_wait3A_51] : memref<51200x128xf32, #tpu.memory_space<hbm>> -> memref<800x64xf32, #tpu.memory_space<hbm>>
    tpu.wait_dma2 semaphore(%arg17 : memref<!tpu.dma_semaphore, #tpu.memory_space<semaphore_mem>>) src(%arg11 : memref<800x64xf32, #tpu.memory_space<vmem>>) dst(%dma_wait3A_52 : memref<800x64xf32, #tpu.memory_space<hbm>>)
    %mul3A_53 = arith.constant 1600 : i32
    %mul3A_54 = arith.muli %add3A, %mul3A_53 : i32
    %add3A_55 = arith.constant 800 : i32
    %add3A_56 = arith.addi %mul3A_54, %add3A_55 : i32
    %add3A_57 = arith.constant 51200 : i32
    %add3A_58 = arith.addi %add3A_57, %add3A_56 : i32
    "tpu.region"() ({
      %run_scoped3A = tpu.sem_alloc : memref<!tpu.dma_semaphore, #tpu.memory_space<semaphore_mem>>
      %dma_start3A_92 = tpu.memref_slice %arg2[%add3A_58] : memref<102400xi32, #tpu.memory_space<hbm>> -> memref<800xi32, #tpu.memory_space<hbm>>
      %dma_start3A_93 = tpu.memref_slice %arg2[%add3A_58] : memref<102400xi32, #tpu.memory_space<hbm>> -> memref<800xi32, #tpu.memory_space<hbm>>
      tpu.enqueue_dma source(%dma_start3A_93 : memref<800xi32, #tpu.memory_space<hbm>>) target(%arg9 : memref<800xi32, #tpu.memory_space<vmem>>) target_semaphore(%run_scoped3A : memref<!tpu.dma_semaphore, #tpu.memory_space<semaphore_mem>>)
      %dma_wait3A_94 = tpu.memref_slice %arg2[%add3A_58] : memref<102400xi32, #tpu.memory_space<hbm>> -> memref<800xi32, #tpu.memory_space<hbm>>
      %dma_wait3A_95 = tpu.memref_slice %arg2[%add3A_58] : memref<102400xi32, #tpu.memory_space<hbm>> -> memref<800xi32, #tpu.memory_space<hbm>>
      tpu.wait_dma2 semaphore(%run_scoped3A : memref<!tpu.dma_semaphore, #tpu.memory_space<semaphore_mem>>) src(%dma_wait3A_95 : memref<800xi32, #tpu.memory_space<hbm>>) dst(%arg9 : memref<800xi32, #tpu.memory_space<vmem>>)
      tpu.yield
    }) : () -> ()
    %dma_start3A_59 = arith.constant 0 : i32
    %dma_start3A_60 = arith.constant 0 : i32
    %dma_start3A_61 = tpu.memref_slice %arg4[%dma_start3A_59, %dma_start3A_60] : memref<100001x64xf32, #tpu.memory_space<hbm>> -> memref<100001x64xf32, #tpu.memory_space<hbm>>
    tpu.enqueue_indirect_dma source(%dma_start3A_61 : memref<100001x64xf32, #tpu.memory_space<hbm>>) target(%arg11 : memref<800x64xf32, #tpu.memory_space<vmem>>) offsets(%arg9 : memref<800xi32, #tpu.memory_space<vmem>>) semaphore(%arg15 : memref<!tpu.dma_semaphore, #tpu.memory_space<semaphore_mem>>)
    %dma_wait3A_62 = arith.constant 0 : i32
    %dma_wait3A_63 = arith.constant 0 : i32
    %dma_wait3A_64 = tpu.memref_slice %arg4[%dma_wait3A_62, %dma_wait3A_63] : memref<100001x64xf32, #tpu.memory_space<hbm>> -> memref<100001x64xf32, #tpu.memory_space<hbm>>
    tpu.wait_indirect_dma semaphore(%arg14 : memref<!tpu.dma_semaphore, #tpu.memory_space<semaphore_mem>>) src(%dma_wait3A_64 : memref<100001x64xf32, #tpu.memory_space<hbm>>) dst(%arg10 : memref<800x64xf32, #tpu.memory_space<vmem>>)
    %dma_start3A_65 = arith.constant 64 : i32
    %dma_start3A_66 = tpu.memref_slice %arg6[%add3A_36, %dma_start3A_65] : memref<51200x128xf32, #tpu.memory_space<hbm>> -> memref<800x64xf32, #tpu.memory_space<hbm>>
    %dma_start3A_67 = arith.constant 64 : i32
    %dma_start3A_68 = tpu.memref_slice %arg6[%add3A_36, %dma_start3A_67] : memref<51200x128xf32, #tpu.memory_space<hbm>> -> memref<800x64xf32, #tpu.memory_space<hbm>>
    tpu.enqueue_dma source(%arg10 : memref<800x64xf32, #tpu.memory_space<vmem>>) target(%dma_start3A_68 : memref<800x64xf32, #tpu.memory_space<hbm>>) target_semaphore(%arg16 : memref<!tpu.dma_semaphore, #tpu.memory_space<semaphore_mem>>)
    %dma_wait3A_69 = arith.constant 0 : i32
    %dma_wait3A_70 = arith.constant 0 : i32
    %dma_wait3A_71 = tpu.memref_slice %arg4[%dma_wait3A_69, %dma_wait3A_70] : memref<100001x64xf32, #tpu.memory_space<hbm>> -> memref<100001x64xf32, #tpu.memory_space<hbm>>
    tpu.wait_indirect_dma semaphore(%arg15 : memref<!tpu.dma_semaphore, #tpu.memory_space<semaphore_mem>>) src(%dma_wait3A_71 : memref<100001x64xf32, #tpu.memory_space<hbm>>) dst(%arg11 : memref<800x64xf32, #tpu.memory_space<vmem>>)
    %dma_start3A_72 = arith.constant 64 : i32
    %dma_start3A_73 = tpu.memref_slice %arg6[%add3A_56, %dma_start3A_72] : memref<51200x128xf32, #tpu.memory_space<hbm>> -> memref<800x64xf32, #tpu.memory_space<hbm>>
    %dma_start3A_74 = arith.constant 64 : i32
    %dma_start3A_75 = tpu.memref_slice %arg6[%add3A_56, %dma_start3A_74] : memref<51200x128xf32, #tpu.memory_space<hbm>> -> memref<800x64xf32, #tpu.memory_space<hbm>>
    tpu.enqueue_dma source(%arg11 : memref<800x64xf32, #tpu.memory_space<vmem>>) target(%dma_start3A_75 : memref<800x64xf32, #tpu.memory_space<hbm>>) target_semaphore(%arg17 : memref<!tpu.dma_semaphore, #tpu.memory_space<semaphore_mem>>)
    %dma_wait3A_76 = arith.constant 64 : i32
    %dma_wait3A_77 = tpu.memref_slice %arg6[%add3A_36, %dma_wait3A_76] : memref<51200x128xf32, #tpu.memory_space<hbm>> -> memref<800x64xf32, #tpu.memory_space<hbm>>
    %dma_wait3A_78 = arith.constant 64 : i32
    %dma_wait3A_79 = tpu.memref_slice %arg6[%add3A_36, %dma_wait3A_78] : memref<51200x128xf32, #tpu.memory_space<hbm>> -> memref<800x64xf32, #tpu.memory_space<hbm>>
    tpu.wait_dma2 semaphore(%arg16 : memref<!tpu.dma_semaphore, #tpu.memory_space<semaphore_mem>>) src(%arg10 : memref<800x64xf32, #tpu.memory_space<vmem>>) dst(%dma_wait3A_79 : memref<800x64xf32, #tpu.memory_space<hbm>>)
    %dma_wait3A_80 = arith.constant 64 : i32
    %dma_wait3A_81 = tpu.memref_slice %arg6[%add3A_56, %dma_wait3A_80] : memref<51200x128xf32, #tpu.memory_space<hbm>> -> memref<800x64xf32, #tpu.memory_space<hbm>>
    %dma_wait3A_82 = arith.constant 64 : i32
    %dma_wait3A_83 = tpu.memref_slice %arg6[%add3A_56, %dma_wait3A_82] : memref<51200x128xf32, #tpu.memory_space<hbm>> -> memref<800x64xf32, #tpu.memory_space<hbm>>
    tpu.wait_dma2 semaphore(%arg17 : memref<!tpu.dma_semaphore, #tpu.memory_space<semaphore_mem>>) src(%arg11 : memref<800x64xf32, #tpu.memory_space<vmem>>) dst(%dma_wait3A_83 : memref<800x64xf32, #tpu.memory_space<hbm>>)
    %dma_wait3A_84 = arith.constant 0 : i32
    %dma_wait3A_85 = arith.constant 0 : i32
    %dma_wait3A_86 = tpu.memref_slice %arg5[%dma_wait3A_84, %dma_wait3A_85] : memref<10000x64xf32, #tpu.memory_space<hbm>> -> memref<10000x64xf32, #tpu.memory_space<hbm>>
    tpu.wait_indirect_dma semaphore(%arg18 : memref<!tpu.dma_semaphore, #tpu.memory_space<semaphore_mem>>) src(%dma_wait3A_86 : memref<10000x64xf32, #tpu.memory_space<hbm>>) dst(%arg13 : memref<16x64xf32, #tpu.memory_space<vmem>>)
    %ge3A = arith.constant 16 : i32
    %ge3A_87 = arith.cmpi sge, %add3A, %ge3A : i32
    %convert_element_type3A = arith.extui %ge3A_87 : i1 to i32
    %mul3A_88 = arith.constant 256 : i32
    %mul3A_89 = arith.muli %mul3A_88, %convert_element_type3A : i32
    %sub3A = arith.subi %mul3A_2, %mul3A_89 : i32
    %mul3A_90 = arith.constant 64 : i32
    %mul3A_91 = arith.muli %mul3A_90, %convert_element_type3A : i32
    "tpu.region"() ({
      %run_scoped3A = tpu.sem_alloc : memref<!tpu.dma_semaphore, #tpu.memory_space<semaphore_mem>>
      %dma_start3A_92 = tpu.memref_slice %arg7[%sub3A, %mul3A_91] : memref<256x128xf32, #tpu.memory_space<hbm>> -> memref<16x64xf32, #tpu.memory_space<hbm>>
      %dma_start3A_93 = tpu.memref_slice %arg7[%sub3A, %mul3A_91] : memref<256x128xf32, #tpu.memory_space<hbm>> -> memref<16x64xf32, #tpu.memory_space<hbm>>
      tpu.enqueue_dma source(%arg13 : memref<16x64xf32, #tpu.memory_space<vmem>>) target(%dma_start3A_93 : memref<16x64xf32, #tpu.memory_space<hbm>>) target_semaphore(%run_scoped3A : memref<!tpu.dma_semaphore, #tpu.memory_space<semaphore_mem>>)
      %dma_wait3A_94 = tpu.memref_slice %arg7[%sub3A, %mul3A_91] : memref<256x128xf32, #tpu.memory_space<hbm>> -> memref<16x64xf32, #tpu.memory_space<hbm>>
      %dma_wait3A_95 = tpu.memref_slice %arg7[%sub3A, %mul3A_91] : memref<256x128xf32, #tpu.memory_space<hbm>> -> memref<16x64xf32, #tpu.memory_space<hbm>>
      tpu.wait_dma2 semaphore(%run_scoped3A : memref<!tpu.dma_semaphore, #tpu.memory_space<semaphore_mem>>) src(%arg13 : memref<16x64xf32, #tpu.memory_space<vmem>>) dst(%dma_wait3A_95 : memref<16x64xf32, #tpu.memory_space<hbm>>)
      tpu.yield
    }) : () -> ()
    return
  }
}

module attributes {stable_mosaic.version = 14 : i64} {
  func.func @body(%arg0: i32, %arg1: memref<256xi32, #tpu.memory_space<smem>>, %arg2: memref<256xi32, #tpu.memory_space<smem>>, %arg3: memref<1600x128xf32, #tpu.memory_space<vmem>>, %arg4: memref<8x200xf32, #tpu.memory_space<vmem>>, %arg5: memref<8x200xf32, #tpu.memory_space<vmem>>) attributes {dimension_semantics = [#tpu.dimension_semantics<arbitrary>], iteration_bounds = array<i64: 32>, scalar_prefetch = 0 : i64, scratch_operands = 0 : i64, tpu.core_type = #tpu.core_type<tc>, window_params = [{transform_indices = @transform_0, window_bounds = array<i64: 256>}, {transform_indices = @transform_1, window_bounds = array<i64: 256>}, {transform_indices = @transform_2, window_bounds = array<i64: 1600, 128>}, {transform_indices = @transform_3, window_bounds = array<i64: 8, 200>}, {transform_indices = @transform_4, window_bounds = array<i64: 8, 200>}]} {
    %mul3A = arith.constant 8 : i32
    %mul3A_0 = arith.muli %arg0, %mul3A : i32
    %get3A = arith.constant 0 : index
    %get3A_1 = arith.constant 0 : index
    %get3A_2 = vector.load %arg3[%get3A, %get3A_1] : memref<1600x128xf32, #tpu.memory_space<vmem>>, vector<1600x128xf32>
    %slice3A = vector.extract_strided_slice %get3A_2 {offsets = [0, 0], sizes = [1600, 64], strides = [1, 1]} : vector<1600x128xf32> to vector<1600x64xf32>
    %slice3A_3 = vector.extract_strided_slice %get3A_2 {offsets = [0, 64], sizes = [1600, 64], strides = [1, 1]} : vector<1600x128xf32> to vector<1600x64xf32>
    %mul3A_4 = arith.mulf %slice3A, %slice3A : vector<1600x64xf32>
    %reduce_sum3A = arith.constant dense<0.000000e+00> : vector<1600xf32>
    %reduce_sum3A_5 = vector.multi_reduction <add>, %mul3A_4, %reduce_sum3A [1] : vector<1600x64xf32> to vector<1600xf32>
    %broadcast_in_dim3A = vector.shape_cast %reduce_sum3A_5 : vector<1600xf32> to vector<1600x1xf32>
    %rsqrt3A = math.rsqrt %broadcast_in_dim3A : vector<1600x1xf32>
    %mul3A_6 = arith.mulf %slice3A_3, %slice3A_3 : vector<1600x64xf32>
    %reduce_sum3A_7 = arith.constant dense<0.000000e+00> : vector<1600xf32>
    %reduce_sum3A_8 = vector.multi_reduction <add>, %mul3A_6, %reduce_sum3A_7 [1] : vector<1600x64xf32> to vector<1600xf32>
    %broadcast_in_dim3A_9 = vector.shape_cast %reduce_sum3A_8 : vector<1600xf32> to vector<1600x1xf32>
    %rsqrt3A_10 = math.rsqrt %broadcast_in_dim3A_9 : vector<1600x1xf32>
    %mul3A_11 = vector.broadcast %rsqrt3A : vector<1600x1xf32> to vector<1600x64xf32>
    %mul3A_12 = arith.mulf %slice3A, %mul3A_11 : vector<1600x64xf32>
    %convert_element_type3A = arith.truncf %mul3A_12 : vector<1600x64xf32> to vector<1600x64xbf16>
    %mul3A_13 = vector.broadcast %rsqrt3A_10 : vector<1600x1xf32> to vector<1600x64xf32>
    %mul3A_14 = arith.mulf %slice3A_3, %mul3A_13 : vector<1600x64xf32>
    %convert_element_type3A_15 = arith.truncf %mul3A_14 : vector<1600x64xf32> to vector<1600x64xbf16>
    %slice3A_16 = vector.extract_strided_slice %convert_element_type3A {offsets = [0, 0], sizes = [200, 64], strides = [1, 1]} : vector<1600x64xbf16> to vector<200x64xbf16>
    %slice3A_17 = vector.extract_strided_slice %convert_element_type3A_15 {offsets = [0, 0], sizes = [200, 64], strides = [1, 1]} : vector<1600x64xbf16> to vector<200x64xbf16>
    %dot_general3A = arith.constant dense<0.000000e+00> : vector<200x200xf32>
    %dot_general3A_18 = tpu.matmul %slice3A_16, %slice3A_17, %dot_general3A {dimension_numbers = #tpu.dot_dimension_numbers<[1], [1], [0], [0], [0, 0, 1, 0], [], []>, transpose_lhs_hint = false} : vector<200x64xbf16>, vector<200x64xbf16>, vector<200x200xf32> -> vector<200x200xf32>
    %add3A = arith.constant 0 : i32
    %add3A_19 = arith.addi %mul3A_0, %add3A : i32
    %get3A_20 = arith.index_cast %add3A_19 : i32 to index
    %get3A_21 = memref.load %arg1[%get3A_20] : memref<256xi32, #tpu.memory_space<smem>>
    %add3A_22 = arith.constant 0 : i32
    %add3A_23 = arith.addi %mul3A_0, %add3A_22 : i32
    %get3A_24 = arith.index_cast %add3A_23 : i32 to index
    %get3A_25 = memref.load %arg2[%get3A_24] : memref<256xi32, #tpu.memory_space<smem>>
    %iota3A = tpu.iota {dimensions = array<i32: 0>} : vector<200x200xi32>
    %iota3A_26 = tpu.iota {dimensions = array<i32: 1>} : vector<200x200xi32>
    %lt3A = vector.broadcast %get3A_25 : i32 to vector<200x200xi32>
    %lt3A_27 = arith.cmpi slt, %iota3A_26, %lt3A : vector<200x200xi32>
    %jit3A = arith.constant 0xFF800000 : f32
    %broadcast_in_dim3A_28 = vector.broadcast %jit3A : f32 to vector<200x200xf32>
    %select_n3A = arith.select %lt3A_27, %dot_general3A_18, %broadcast_in_dim3A_28 : vector<200x200xi1>, vector<200x200xf32>
    %reduce_max3A = arith.constant dense<0xFF800000> : vector<200xf32>
    %reduce_max3A_29 = vector.multi_reduction <maximumf>, %select_n3A, %reduce_max3A [1] : vector<200x200xf32> to vector<200xf32>
    %broadcast_in_dim3A_30 = vector.shape_cast %reduce_max3A_29 : vector<200xf32> to vector<200x1xf32>
    %iota3A_31 = tpu.iota {dimensions = array<i32: 0>} : vector<200x1xi32>
    %lt3A_32 = vector.broadcast %get3A_21 : i32 to vector<200x1xi32>
    %lt3A_33 = arith.cmpi slt, %iota3A_31, %lt3A_32 : vector<200x1xi32>
    %jit3A_34 = arith.constant 0.000000e+00 : f32
    %broadcast_in_dim3A_35 = vector.broadcast %jit3A_34 : f32 to vector<200x1xf32>
    %select_n3A_36 = arith.select %lt3A_33, %broadcast_in_dim3A_30, %broadcast_in_dim3A_35 : vector<200x1xi1>, vector<200x1xf32>
    %lt3A_37 = vector.broadcast %get3A_21 : i32 to vector<200x200xi32>
    %lt3A_38 = arith.cmpi slt, %iota3A, %lt3A_37 : vector<200x200xi32>
    %jit3A_39 = arith.constant 0xFF800000 : f32
    %broadcast_in_dim3A_40 = vector.broadcast %jit3A_39 : f32 to vector<200x200xf32>
    %select_n3A_41 = arith.select %lt3A_38, %dot_general3A_18, %broadcast_in_dim3A_40 : vector<200x200xi1>, vector<200x200xf32>
    %reduce_max3A_42 = arith.constant dense<0xFF800000> : vector<200xf32>
    %reduce_max3A_43 = vector.multi_reduction <maximumf>, %select_n3A_41, %reduce_max3A_42 [0] : vector<200x200xf32> to vector<200xf32>
    %broadcast_in_dim3A_44 = vector.shape_cast %reduce_max3A_43 : vector<200xf32> to vector<1x200xf32>
    %iota3A_45 = tpu.iota {dimensions = array<i32: 1>} : vector<1x200xi32>
    %lt3A_46 = vector.broadcast %get3A_25 : i32 to vector<1x200xi32>
    %lt3A_47 = arith.cmpi slt, %iota3A_45, %lt3A_46 : vector<1x200xi32>
    %jit3A_48 = arith.constant 0.000000e+00 : f32
    %broadcast_in_dim3A_49 = vector.broadcast %jit3A_48 : f32 to vector<1x200xf32>
    %select_n3A_50 = arith.select %lt3A_47, %broadcast_in_dim3A_44, %broadcast_in_dim3A_49 : vector<1x200xi1>, vector<1x200xf32>
    %slice3A_51 = vector.extract_strided_slice %convert_element_type3A {offsets = [200, 0], sizes = [200, 64], strides = [1, 1]} : vector<1600x64xbf16> to vector<200x64xbf16>
    %slice3A_52 = vector.extract_strided_slice %convert_element_type3A_15 {offsets = [200, 0], sizes = [200, 64], strides = [1, 1]} : vector<1600x64xbf16> to vector<200x64xbf16>
    %dot_general3A_53 = arith.constant dense<0.000000e+00> : vector<200x200xf32>
    %dot_general3A_54 = tpu.matmul %slice3A_51, %slice3A_52, %dot_general3A_53 {dimension_numbers = #tpu.dot_dimension_numbers<[1], [1], [0], [0], [0, 0, 1, 0], [], []>, transpose_lhs_hint = false} : vector<200x64xbf16>, vector<200x64xbf16>, vector<200x200xf32> -> vector<200x200xf32>
    %add3A_55 = arith.constant 1 : i32
    %add3A_56 = arith.addi %mul3A_0, %add3A_55 : i32
    %get3A_57 = arith.index_cast %add3A_56 : i32 to index
    %get3A_58 = memref.load %arg1[%get3A_57] : memref<256xi32, #tpu.memory_space<smem>>
    %add3A_59 = arith.constant 1 : i32
    %add3A_60 = arith.addi %mul3A_0, %add3A_59 : i32
    %get3A_61 = arith.index_cast %add3A_60 : i32 to index
    %get3A_62 = memref.load %arg2[%get3A_61] : memref<256xi32, #tpu.memory_space<smem>>
    %iota3A_63 = tpu.iota {dimensions = array<i32: 0>} : vector<200x200xi32>
    %iota3A_64 = tpu.iota {dimensions = array<i32: 1>} : vector<200x200xi32>
    %lt3A_65 = vector.broadcast %get3A_62 : i32 to vector<200x200xi32>
    %lt3A_66 = arith.cmpi slt, %iota3A_64, %lt3A_65 : vector<200x200xi32>
    %jit3A_67 = arith.constant 0xFF800000 : f32
    %broadcast_in_dim3A_68 = vector.broadcast %jit3A_67 : f32 to vector<200x200xf32>
    %select_n3A_69 = arith.select %lt3A_66, %dot_general3A_54, %broadcast_in_dim3A_68 : vector<200x200xi1>, vector<200x200xf32>
    %reduce_max3A_70 = arith.constant dense<0xFF800000> : vector<200xf32>
    %reduce_max3A_71 = vector.multi_reduction <maximumf>, %select_n3A_69, %reduce_max3A_70 [1] : vector<200x200xf32> to vector<200xf32>
    %broadcast_in_dim3A_72 = vector.shape_cast %reduce_max3A_71 : vector<200xf32> to vector<200x1xf32>
    %iota3A_73 = tpu.iota {dimensions = array<i32: 0>} : vector<200x1xi32>
    %lt3A_74 = vector.broadcast %get3A_58 : i32 to vector<200x1xi32>
    %lt3A_75 = arith.cmpi slt, %iota3A_73, %lt3A_74 : vector<200x1xi32>
    %jit3A_76 = arith.constant 0.000000e+00 : f32
    %broadcast_in_dim3A_77 = vector.broadcast %jit3A_76 : f32 to vector<200x1xf32>
    %select_n3A_78 = arith.select %lt3A_75, %broadcast_in_dim3A_72, %broadcast_in_dim3A_77 : vector<200x1xi1>, vector<200x1xf32>
    %lt3A_79 = vector.broadcast %get3A_58 : i32 to vector<200x200xi32>
    %lt3A_80 = arith.cmpi slt, %iota3A_63, %lt3A_79 : vector<200x200xi32>
    %jit3A_81 = arith.constant 0xFF800000 : f32
    %broadcast_in_dim3A_82 = vector.broadcast %jit3A_81 : f32 to vector<200x200xf32>
    %select_n3A_83 = arith.select %lt3A_80, %dot_general3A_54, %broadcast_in_dim3A_82 : vector<200x200xi1>, vector<200x200xf32>
    %reduce_max3A_84 = arith.constant dense<0xFF800000> : vector<200xf32>
    %reduce_max3A_85 = vector.multi_reduction <maximumf>, %select_n3A_83, %reduce_max3A_84 [0] : vector<200x200xf32> to vector<200xf32>
    %broadcast_in_dim3A_86 = vector.shape_cast %reduce_max3A_85 : vector<200xf32> to vector<1x200xf32>
    %iota3A_87 = tpu.iota {dimensions = array<i32: 1>} : vector<1x200xi32>
    %lt3A_88 = vector.broadcast %get3A_62 : i32 to vector<1x200xi32>
    %lt3A_89 = arith.cmpi slt, %iota3A_87, %lt3A_88 : vector<1x200xi32>
    %jit3A_90 = arith.constant 0.000000e+00 : f32
    %broadcast_in_dim3A_91 = vector.broadcast %jit3A_90 : f32 to vector<1x200xf32>
    %select_n3A_92 = arith.select %lt3A_89, %broadcast_in_dim3A_86, %broadcast_in_dim3A_91 : vector<1x200xi1>, vector<1x200xf32>
    %slice3A_93 = vector.extract_strided_slice %convert_element_type3A {offsets = [400, 0], sizes = [200, 64], strides = [1, 1]} : vector<1600x64xbf16> to vector<200x64xbf16>
    %slice3A_94 = vector.extract_strided_slice %convert_element_type3A_15 {offsets = [400, 0], sizes = [200, 64], strides = [1, 1]} : vector<1600x64xbf16> to vector<200x64xbf16>
    %dot_general3A_95 = arith.constant dense<0.000000e+00> : vector<200x200xf32>
    %dot_general3A_96 = tpu.matmul %slice3A_93, %slice3A_94, %dot_general3A_95 {dimension_numbers = #tpu.dot_dimension_numbers<[1], [1], [0], [0], [0, 0, 1, 0], [], []>, transpose_lhs_hint = false} : vector<200x64xbf16>, vector<200x64xbf16>, vector<200x200xf32> -> vector<200x200xf32>
    %add3A_97 = arith.constant 2 : i32
    %add3A_98 = arith.addi %mul3A_0, %add3A_97 : i32
    %get3A_99 = arith.index_cast %add3A_98 : i32 to index
    %get3A_100 = memref.load %arg1[%get3A_99] : memref<256xi32, #tpu.memory_space<smem>>
    %add3A_101 = arith.constant 2 : i32
    %add3A_102 = arith.addi %mul3A_0, %add3A_101 : i32
    %get3A_103 = arith.index_cast %add3A_102 : i32 to index
    %get3A_104 = memref.load %arg2[%get3A_103] : memref<256xi32, #tpu.memory_space<smem>>
    %iota3A_105 = tpu.iota {dimensions = array<i32: 0>} : vector<200x200xi32>
    %iota3A_106 = tpu.iota {dimensions = array<i32: 1>} : vector<200x200xi32>
    %lt3A_107 = vector.broadcast %get3A_104 : i32 to vector<200x200xi32>
    %lt3A_108 = arith.cmpi slt, %iota3A_106, %lt3A_107 : vector<200x200xi32>
    %jit3A_109 = arith.constant 0xFF800000 : f32
    %broadcast_in_dim3A_110 = vector.broadcast %jit3A_109 : f32 to vector<200x200xf32>
    %select_n3A_111 = arith.select %lt3A_108, %dot_general3A_96, %broadcast_in_dim3A_110 : vector<200x200xi1>, vector<200x200xf32>
    %reduce_max3A_112 = arith.constant dense<0xFF800000> : vector<200xf32>
    %reduce_max3A_113 = vector.multi_reduction <maximumf>, %select_n3A_111, %reduce_max3A_112 [1] : vector<200x200xf32> to vector<200xf32>
    %broadcast_in_dim3A_114 = vector.shape_cast %reduce_max3A_113 : vector<200xf32> to vector<200x1xf32>
    %iota3A_115 = tpu.iota {dimensions = array<i32: 0>} : vector<200x1xi32>
    %lt3A_116 = vector.broadcast %get3A_100 : i32 to vector<200x1xi32>
    %lt3A_117 = arith.cmpi slt, %iota3A_115, %lt3A_116 : vector<200x1xi32>
    %jit3A_118 = arith.constant 0.000000e+00 : f32
    %broadcast_in_dim3A_119 = vector.broadcast %jit3A_118 : f32 to vector<200x1xf32>
    %select_n3A_120 = arith.select %lt3A_117, %broadcast_in_dim3A_114, %broadcast_in_dim3A_119 : vector<200x1xi1>, vector<200x1xf32>
    %lt3A_121 = vector.broadcast %get3A_100 : i32 to vector<200x200xi32>
    %lt3A_122 = arith.cmpi slt, %iota3A_105, %lt3A_121 : vector<200x200xi32>
    %jit3A_123 = arith.constant 0xFF800000 : f32
    %broadcast_in_dim3A_124 = vector.broadcast %jit3A_123 : f32 to vector<200x200xf32>
    %select_n3A_125 = arith.select %lt3A_122, %dot_general3A_96, %broadcast_in_dim3A_124 : vector<200x200xi1>, vector<200x200xf32>
    %reduce_max3A_126 = arith.constant dense<0xFF800000> : vector<200xf32>
    %reduce_max3A_127 = vector.multi_reduction <maximumf>, %select_n3A_125, %reduce_max3A_126 [0] : vector<200x200xf32> to vector<200xf32>
    %broadcast_in_dim3A_128 = vector.shape_cast %reduce_max3A_127 : vector<200xf32> to vector<1x200xf32>
    %iota3A_129 = tpu.iota {dimensions = array<i32: 1>} : vector<1x200xi32>
    %lt3A_130 = vector.broadcast %get3A_104 : i32 to vector<1x200xi32>
    %lt3A_131 = arith.cmpi slt, %iota3A_129, %lt3A_130 : vector<1x200xi32>
    %jit3A_132 = arith.constant 0.000000e+00 : f32
    %broadcast_in_dim3A_133 = vector.broadcast %jit3A_132 : f32 to vector<1x200xf32>
    %select_n3A_134 = arith.select %lt3A_131, %broadcast_in_dim3A_128, %broadcast_in_dim3A_133 : vector<1x200xi1>, vector<1x200xf32>
    %slice3A_135 = vector.extract_strided_slice %convert_element_type3A {offsets = [600, 0], sizes = [200, 64], strides = [1, 1]} : vector<1600x64xbf16> to vector<200x64xbf16>
    %slice3A_136 = vector.extract_strided_slice %convert_element_type3A_15 {offsets = [600, 0], sizes = [200, 64], strides = [1, 1]} : vector<1600x64xbf16> to vector<200x64xbf16>
    %dot_general3A_137 = arith.constant dense<0.000000e+00> : vector<200x200xf32>
    %dot_general3A_138 = tpu.matmul %slice3A_135, %slice3A_136, %dot_general3A_137 {dimension_numbers = #tpu.dot_dimension_numbers<[1], [1], [0], [0], [0, 0, 1, 0], [], []>, transpose_lhs_hint = false} : vector<200x64xbf16>, vector<200x64xbf16>, vector<200x200xf32> -> vector<200x200xf32>
    %add3A_139 = arith.constant 3 : i32
    %add3A_140 = arith.addi %mul3A_0, %add3A_139 : i32
    %get3A_141 = arith.index_cast %add3A_140 : i32 to index
    %get3A_142 = memref.load %arg1[%get3A_141] : memref<256xi32, #tpu.memory_space<smem>>
    %add3A_143 = arith.constant 3 : i32
    %add3A_144 = arith.addi %mul3A_0, %add3A_143 : i32
    %get3A_145 = arith.index_cast %add3A_144 : i32 to index
    %get3A_146 = memref.load %arg2[%get3A_145] : memref<256xi32, #tpu.memory_space<smem>>
    %iota3A_147 = tpu.iota {dimensions = array<i32: 0>} : vector<200x200xi32>
    %iota3A_148 = tpu.iota {dimensions = array<i32: 1>} : vector<200x200xi32>
    %lt3A_149 = vector.broadcast %get3A_146 : i32 to vector<200x200xi32>
    %lt3A_150 = arith.cmpi slt, %iota3A_148, %lt3A_149 : vector<200x200xi32>
    %jit3A_151 = arith.constant 0xFF800000 : f32
    %broadcast_in_dim3A_152 = vector.broadcast %jit3A_151 : f32 to vector<200x200xf32>
    %select_n3A_153 = arith.select %lt3A_150, %dot_general3A_138, %broadcast_in_dim3A_152 : vector<200x200xi1>, vector<200x200xf32>
    %reduce_max3A_154 = arith.constant dense<0xFF800000> : vector<200xf32>
    %reduce_max3A_155 = vector.multi_reduction <maximumf>, %select_n3A_153, %reduce_max3A_154 [1] : vector<200x200xf32> to vector<200xf32>
    %broadcast_in_dim3A_156 = vector.shape_cast %reduce_max3A_155 : vector<200xf32> to vector<200x1xf32>
    %iota3A_157 = tpu.iota {dimensions = array<i32: 0>} : vector<200x1xi32>
    %lt3A_158 = vector.broadcast %get3A_142 : i32 to vector<200x1xi32>
    %lt3A_159 = arith.cmpi slt, %iota3A_157, %lt3A_158 : vector<200x1xi32>
    %jit3A_160 = arith.constant 0.000000e+00 : f32
    %broadcast_in_dim3A_161 = vector.broadcast %jit3A_160 : f32 to vector<200x1xf32>
    %select_n3A_162 = arith.select %lt3A_159, %broadcast_in_dim3A_156, %broadcast_in_dim3A_161 : vector<200x1xi1>, vector<200x1xf32>
    %lt3A_163 = vector.broadcast %get3A_142 : i32 to vector<200x200xi32>
    %lt3A_164 = arith.cmpi slt, %iota3A_147, %lt3A_163 : vector<200x200xi32>
    %jit3A_165 = arith.constant 0xFF800000 : f32
    %broadcast_in_dim3A_166 = vector.broadcast %jit3A_165 : f32 to vector<200x200xf32>
    %select_n3A_167 = arith.select %lt3A_164, %dot_general3A_138, %broadcast_in_dim3A_166 : vector<200x200xi1>, vector<200x200xf32>
    %reduce_max3A_168 = arith.constant dense<0xFF800000> : vector<200xf32>
    %reduce_max3A_169 = vector.multi_reduction <maximumf>, %select_n3A_167, %reduce_max3A_168 [0] : vector<200x200xf32> to vector<200xf32>
    %broadcast_in_dim3A_170 = vector.shape_cast %reduce_max3A_169 : vector<200xf32> to vector<1x200xf32>
    %iota3A_171 = tpu.iota {dimensions = array<i32: 1>} : vector<1x200xi32>
    %lt3A_172 = vector.broadcast %get3A_146 : i32 to vector<1x200xi32>
    %lt3A_173 = arith.cmpi slt, %iota3A_171, %lt3A_172 : vector<1x200xi32>
    %jit3A_174 = arith.constant 0.000000e+00 : f32
    %broadcast_in_dim3A_175 = vector.broadcast %jit3A_174 : f32 to vector<1x200xf32>
    %select_n3A_176 = arith.select %lt3A_173, %broadcast_in_dim3A_170, %broadcast_in_dim3A_175 : vector<1x200xi1>, vector<1x200xf32>
    %slice3A_177 = vector.extract_strided_slice %convert_element_type3A {offsets = [800, 0], sizes = [200, 64], strides = [1, 1]} : vector<1600x64xbf16> to vector<200x64xbf16>
    %slice3A_178 = vector.extract_strided_slice %convert_element_type3A_15 {offsets = [800, 0], sizes = [200, 64], strides = [1, 1]} : vector<1600x64xbf16> to vector<200x64xbf16>
    %dot_general3A_179 = arith.constant dense<0.000000e+00> : vector<200x200xf32>
    %dot_general3A_180 = tpu.matmul %slice3A_177, %slice3A_178, %dot_general3A_179 {dimension_numbers = #tpu.dot_dimension_numbers<[1], [1], [0], [0], [0, 0, 1, 0], [], []>, transpose_lhs_hint = false} : vector<200x64xbf16>, vector<200x64xbf16>, vector<200x200xf32> -> vector<200x200xf32>
    %add3A_181 = arith.constant 4 : i32
    %add3A_182 = arith.addi %mul3A_0, %add3A_181 : i32
    %get3A_183 = arith.index_cast %add3A_182 : i32 to index
    %get3A_184 = memref.load %arg1[%get3A_183] : memref<256xi32, #tpu.memory_space<smem>>
    %add3A_185 = arith.constant 4 : i32
    %add3A_186 = arith.addi %mul3A_0, %add3A_185 : i32
    %get3A_187 = arith.index_cast %add3A_186 : i32 to index
    %get3A_188 = memref.load %arg2[%get3A_187] : memref<256xi32, #tpu.memory_space<smem>>
    %iota3A_189 = tpu.iota {dimensions = array<i32: 0>} : vector<200x200xi32>
    %iota3A_190 = tpu.iota {dimensions = array<i32: 1>} : vector<200x200xi32>
    %lt3A_191 = vector.broadcast %get3A_188 : i32 to vector<200x200xi32>
    %lt3A_192 = arith.cmpi slt, %iota3A_190, %lt3A_191 : vector<200x200xi32>
    %jit3A_193 = arith.constant 0xFF800000 : f32
    %broadcast_in_dim3A_194 = vector.broadcast %jit3A_193 : f32 to vector<200x200xf32>
    %select_n3A_195 = arith.select %lt3A_192, %dot_general3A_180, %broadcast_in_dim3A_194 : vector<200x200xi1>, vector<200x200xf32>
    %reduce_max3A_196 = arith.constant dense<0xFF800000> : vector<200xf32>
    %reduce_max3A_197 = vector.multi_reduction <maximumf>, %select_n3A_195, %reduce_max3A_196 [1] : vector<200x200xf32> to vector<200xf32>
    %broadcast_in_dim3A_198 = vector.shape_cast %reduce_max3A_197 : vector<200xf32> to vector<200x1xf32>
    %iota3A_199 = tpu.iota {dimensions = array<i32: 0>} : vector<200x1xi32>
    %lt3A_200 = vector.broadcast %get3A_184 : i32 to vector<200x1xi32>
    %lt3A_201 = arith.cmpi slt, %iota3A_199, %lt3A_200 : vector<200x1xi32>
    %jit3A_202 = arith.constant 0.000000e+00 : f32
    %broadcast_in_dim3A_203 = vector.broadcast %jit3A_202 : f32 to vector<200x1xf32>
    %select_n3A_204 = arith.select %lt3A_201, %broadcast_in_dim3A_198, %broadcast_in_dim3A_203 : vector<200x1xi1>, vector<200x1xf32>
    %lt3A_205 = vector.broadcast %get3A_184 : i32 to vector<200x200xi32>
    %lt3A_206 = arith.cmpi slt, %iota3A_189, %lt3A_205 : vector<200x200xi32>
    %jit3A_207 = arith.constant 0xFF800000 : f32
    %broadcast_in_dim3A_208 = vector.broadcast %jit3A_207 : f32 to vector<200x200xf32>
    %select_n3A_209 = arith.select %lt3A_206, %dot_general3A_180, %broadcast_in_dim3A_208 : vector<200x200xi1>, vector<200x200xf32>
    %reduce_max3A_210 = arith.constant dense<0xFF800000> : vector<200xf32>
    %reduce_max3A_211 = vector.multi_reduction <maximumf>, %select_n3A_209, %reduce_max3A_210 [0] : vector<200x200xf32> to vector<200xf32>
    %broadcast_in_dim3A_212 = vector.shape_cast %reduce_max3A_211 : vector<200xf32> to vector<1x200xf32>
    %iota3A_213 = tpu.iota {dimensions = array<i32: 1>} : vector<1x200xi32>
    %lt3A_214 = vector.broadcast %get3A_188 : i32 to vector<1x200xi32>
    %lt3A_215 = arith.cmpi slt, %iota3A_213, %lt3A_214 : vector<1x200xi32>
    %jit3A_216 = arith.constant 0.000000e+00 : f32
    %broadcast_in_dim3A_217 = vector.broadcast %jit3A_216 : f32 to vector<1x200xf32>
    %select_n3A_218 = arith.select %lt3A_215, %broadcast_in_dim3A_212, %broadcast_in_dim3A_217 : vector<1x200xi1>, vector<1x200xf32>
    %slice3A_219 = vector.extract_strided_slice %convert_element_type3A {offsets = [1000, 0], sizes = [200, 64], strides = [1, 1]} : vector<1600x64xbf16> to vector<200x64xbf16>
    %slice3A_220 = vector.extract_strided_slice %convert_element_type3A_15 {offsets = [1000, 0], sizes = [200, 64], strides = [1, 1]} : vector<1600x64xbf16> to vector<200x64xbf16>
    %dot_general3A_221 = arith.constant dense<0.000000e+00> : vector<200x200xf32>
    %dot_general3A_222 = tpu.matmul %slice3A_219, %slice3A_220, %dot_general3A_221 {dimension_numbers = #tpu.dot_dimension_numbers<[1], [1], [0], [0], [0, 0, 1, 0], [], []>, transpose_lhs_hint = false} : vector<200x64xbf16>, vector<200x64xbf16>, vector<200x200xf32> -> vector<200x200xf32>
    %add3A_223 = arith.constant 5 : i32
    %add3A_224 = arith.addi %mul3A_0, %add3A_223 : i32
    %get3A_225 = arith.index_cast %add3A_224 : i32 to index
    %get3A_226 = memref.load %arg1[%get3A_225] : memref<256xi32, #tpu.memory_space<smem>>
    %add3A_227 = arith.constant 5 : i32
    %add3A_228 = arith.addi %mul3A_0, %add3A_227 : i32
    %get3A_229 = arith.index_cast %add3A_228 : i32 to index
    %get3A_230 = memref.load %arg2[%get3A_229] : memref<256xi32, #tpu.memory_space<smem>>
    %iota3A_231 = tpu.iota {dimensions = array<i32: 0>} : vector<200x200xi32>
    %iota3A_232 = tpu.iota {dimensions = array<i32: 1>} : vector<200x200xi32>
    %lt3A_233 = vector.broadcast %get3A_230 : i32 to vector<200x200xi32>
    %lt3A_234 = arith.cmpi slt, %iota3A_232, %lt3A_233 : vector<200x200xi32>
    %jit3A_235 = arith.constant 0xFF800000 : f32
    %broadcast_in_dim3A_236 = vector.broadcast %jit3A_235 : f32 to vector<200x200xf32>
    %select_n3A_237 = arith.select %lt3A_234, %dot_general3A_222, %broadcast_in_dim3A_236 : vector<200x200xi1>, vector<200x200xf32>
    %reduce_max3A_238 = arith.constant dense<0xFF800000> : vector<200xf32>
    %reduce_max3A_239 = vector.multi_reduction <maximumf>, %select_n3A_237, %reduce_max3A_238 [1] : vector<200x200xf32> to vector<200xf32>
    %broadcast_in_dim3A_240 = vector.shape_cast %reduce_max3A_239 : vector<200xf32> to vector<200x1xf32>
    %iota3A_241 = tpu.iota {dimensions = array<i32: 0>} : vector<200x1xi32>
    %lt3A_242 = vector.broadcast %get3A_226 : i32 to vector<200x1xi32>
    %lt3A_243 = arith.cmpi slt, %iota3A_241, %lt3A_242 : vector<200x1xi32>
    %jit3A_244 = arith.constant 0.000000e+00 : f32
    %broadcast_in_dim3A_245 = vector.broadcast %jit3A_244 : f32 to vector<200x1xf32>
    %select_n3A_246 = arith.select %lt3A_243, %broadcast_in_dim3A_240, %broadcast_in_dim3A_245 : vector<200x1xi1>, vector<200x1xf32>
    %lt3A_247 = vector.broadcast %get3A_226 : i32 to vector<200x200xi32>
    %lt3A_248 = arith.cmpi slt, %iota3A_231, %lt3A_247 : vector<200x200xi32>
    %jit3A_249 = arith.constant 0xFF800000 : f32
    %broadcast_in_dim3A_250 = vector.broadcast %jit3A_249 : f32 to vector<200x200xf32>
    %select_n3A_251 = arith.select %lt3A_248, %dot_general3A_222, %broadcast_in_dim3A_250 : vector<200x200xi1>, vector<200x200xf32>
    %reduce_max3A_252 = arith.constant dense<0xFF800000> : vector<200xf32>
    %reduce_max3A_253 = vector.multi_reduction <maximumf>, %select_n3A_251, %reduce_max3A_252 [0] : vector<200x200xf32> to vector<200xf32>
    %broadcast_in_dim3A_254 = vector.shape_cast %reduce_max3A_253 : vector<200xf32> to vector<1x200xf32>
    %iota3A_255 = tpu.iota {dimensions = array<i32: 1>} : vector<1x200xi32>
    %lt3A_256 = vector.broadcast %get3A_230 : i32 to vector<1x200xi32>
    %lt3A_257 = arith.cmpi slt, %iota3A_255, %lt3A_256 : vector<1x200xi32>
    %jit3A_258 = arith.constant 0.000000e+00 : f32
    %broadcast_in_dim3A_259 = vector.broadcast %jit3A_258 : f32 to vector<1x200xf32>
    %select_n3A_260 = arith.select %lt3A_257, %broadcast_in_dim3A_254, %broadcast_in_dim3A_259 : vector<1x200xi1>, vector<1x200xf32>
    %slice3A_261 = vector.extract_strided_slice %convert_element_type3A {offsets = [1200, 0], sizes = [200, 64], strides = [1, 1]} : vector<1600x64xbf16> to vector<200x64xbf16>
    %slice3A_262 = vector.extract_strided_slice %convert_element_type3A_15 {offsets = [1200, 0], sizes = [200, 64], strides = [1, 1]} : vector<1600x64xbf16> to vector<200x64xbf16>
    %dot_general3A_263 = arith.constant dense<0.000000e+00> : vector<200x200xf32>
    %dot_general3A_264 = tpu.matmul %slice3A_261, %slice3A_262, %dot_general3A_263 {dimension_numbers = #tpu.dot_dimension_numbers<[1], [1], [0], [0], [0, 0, 1, 0], [], []>, transpose_lhs_hint = false} : vector<200x64xbf16>, vector<200x64xbf16>, vector<200x200xf32> -> vector<200x200xf32>
    %add3A_265 = arith.constant 6 : i32
    %add3A_266 = arith.addi %mul3A_0, %add3A_265 : i32
    %get3A_267 = arith.index_cast %add3A_266 : i32 to index
    %get3A_268 = memref.load %arg1[%get3A_267] : memref<256xi32, #tpu.memory_space<smem>>
    %add3A_269 = arith.constant 6 : i32
    %add3A_270 = arith.addi %mul3A_0, %add3A_269 : i32
    %get3A_271 = arith.index_cast %add3A_270 : i32 to index
    %get3A_272 = memref.load %arg2[%get3A_271] : memref<256xi32, #tpu.memory_space<smem>>
    %iota3A_273 = tpu.iota {dimensions = array<i32: 0>} : vector<200x200xi32>
    %iota3A_274 = tpu.iota {dimensions = array<i32: 1>} : vector<200x200xi32>
    %lt3A_275 = vector.broadcast %get3A_272 : i32 to vector<200x200xi32>
    %lt3A_276 = arith.cmpi slt, %iota3A_274, %lt3A_275 : vector<200x200xi32>
    %jit3A_277 = arith.constant 0xFF800000 : f32
    %broadcast_in_dim3A_278 = vector.broadcast %jit3A_277 : f32 to vector<200x200xf32>
    %select_n3A_279 = arith.select %lt3A_276, %dot_general3A_264, %broadcast_in_dim3A_278 : vector<200x200xi1>, vector<200x200xf32>
    %reduce_max3A_280 = arith.constant dense<0xFF800000> : vector<200xf32>
    %reduce_max3A_281 = vector.multi_reduction <maximumf>, %select_n3A_279, %reduce_max3A_280 [1] : vector<200x200xf32> to vector<200xf32>
    %broadcast_in_dim3A_282 = vector.shape_cast %reduce_max3A_281 : vector<200xf32> to vector<200x1xf32>
    %iota3A_283 = tpu.iota {dimensions = array<i32: 0>} : vector<200x1xi32>
    %lt3A_284 = vector.broadcast %get3A_268 : i32 to vector<200x1xi32>
    %lt3A_285 = arith.cmpi slt, %iota3A_283, %lt3A_284 : vector<200x1xi32>
    %jit3A_286 = arith.constant 0.000000e+00 : f32
    %broadcast_in_dim3A_287 = vector.broadcast %jit3A_286 : f32 to vector<200x1xf32>
    %select_n3A_288 = arith.select %lt3A_285, %broadcast_in_dim3A_282, %broadcast_in_dim3A_287 : vector<200x1xi1>, vector<200x1xf32>
    %lt3A_289 = vector.broadcast %get3A_268 : i32 to vector<200x200xi32>
    %lt3A_290 = arith.cmpi slt, %iota3A_273, %lt3A_289 : vector<200x200xi32>
    %jit3A_291 = arith.constant 0xFF800000 : f32
    %broadcast_in_dim3A_292 = vector.broadcast %jit3A_291 : f32 to vector<200x200xf32>
    %select_n3A_293 = arith.select %lt3A_290, %dot_general3A_264, %broadcast_in_dim3A_292 : vector<200x200xi1>, vector<200x200xf32>
    %reduce_max3A_294 = arith.constant dense<0xFF800000> : vector<200xf32>
    %reduce_max3A_295 = vector.multi_reduction <maximumf>, %select_n3A_293, %reduce_max3A_294 [0] : vector<200x200xf32> to vector<200xf32>
    %broadcast_in_dim3A_296 = vector.shape_cast %reduce_max3A_295 : vector<200xf32> to vector<1x200xf32>
    %iota3A_297 = tpu.iota {dimensions = array<i32: 1>} : vector<1x200xi32>
    %lt3A_298 = vector.broadcast %get3A_272 : i32 to vector<1x200xi32>
    %lt3A_299 = arith.cmpi slt, %iota3A_297, %lt3A_298 : vector<1x200xi32>
    %jit3A_300 = arith.constant 0.000000e+00 : f32
    %broadcast_in_dim3A_301 = vector.broadcast %jit3A_300 : f32 to vector<1x200xf32>
    %select_n3A_302 = arith.select %lt3A_299, %broadcast_in_dim3A_296, %broadcast_in_dim3A_301 : vector<1x200xi1>, vector<1x200xf32>
    %slice3A_303 = vector.extract_strided_slice %convert_element_type3A {offsets = [1400, 0], sizes = [200, 64], strides = [1, 1]} : vector<1600x64xbf16> to vector<200x64xbf16>
    %slice3A_304 = vector.extract_strided_slice %convert_element_type3A_15 {offsets = [1400, 0], sizes = [200, 64], strides = [1, 1]} : vector<1600x64xbf16> to vector<200x64xbf16>
    %dot_general3A_305 = arith.constant dense<0.000000e+00> : vector<200x200xf32>
    %dot_general3A_306 = tpu.matmul %slice3A_303, %slice3A_304, %dot_general3A_305 {dimension_numbers = #tpu.dot_dimension_numbers<[1], [1], [0], [0], [0, 0, 1, 0], [], []>, transpose_lhs_hint = false} : vector<200x64xbf16>, vector<200x64xbf16>, vector<200x200xf32> -> vector<200x200xf32>
    %add3A_307 = arith.constant 7 : i32
    %add3A_308 = arith.addi %mul3A_0, %add3A_307 : i32
    %get3A_309 = arith.index_cast %add3A_308 : i32 to index
    %get3A_310 = memref.load %arg1[%get3A_309] : memref<256xi32, #tpu.memory_space<smem>>
    %add3A_311 = arith.constant 7 : i32
    %add3A_312 = arith.addi %mul3A_0, %add3A_311 : i32
    %get3A_313 = arith.index_cast %add3A_312 : i32 to index
    %get3A_314 = memref.load %arg2[%get3A_313] : memref<256xi32, #tpu.memory_space<smem>>
    %iota3A_315 = tpu.iota {dimensions = array<i32: 0>} : vector<200x200xi32>
    %iota3A_316 = tpu.iota {dimensions = array<i32: 1>} : vector<200x200xi32>
    %lt3A_317 = vector.broadcast %get3A_314 : i32 to vector<200x200xi32>
    %lt3A_318 = arith.cmpi slt, %iota3A_316, %lt3A_317 : vector<200x200xi32>
    %jit3A_319 = arith.constant 0xFF800000 : f32
    %broadcast_in_dim3A_320 = vector.broadcast %jit3A_319 : f32 to vector<200x200xf32>
    %select_n3A_321 = arith.select %lt3A_318, %dot_general3A_306, %broadcast_in_dim3A_320 : vector<200x200xi1>, vector<200x200xf32>
    %reduce_max3A_322 = arith.constant dense<0xFF800000> : vector<200xf32>
    %reduce_max3A_323 = vector.multi_reduction <maximumf>, %select_n3A_321, %reduce_max3A_322 [1] : vector<200x200xf32> to vector<200xf32>
    %broadcast_in_dim3A_324 = vector.shape_cast %reduce_max3A_323 : vector<200xf32> to vector<200x1xf32>
    %iota3A_325 = tpu.iota {dimensions = array<i32: 0>} : vector<200x1xi32>
    %lt3A_326 = vector.broadcast %get3A_310 : i32 to vector<200x1xi32>
    %lt3A_327 = arith.cmpi slt, %iota3A_325, %lt3A_326 : vector<200x1xi32>
    %jit3A_328 = arith.constant 0.000000e+00 : f32
    %broadcast_in_dim3A_329 = vector.broadcast %jit3A_328 : f32 to vector<200x1xf32>
    %select_n3A_330 = arith.select %lt3A_327, %broadcast_in_dim3A_324, %broadcast_in_dim3A_329 : vector<200x1xi1>, vector<200x1xf32>
    %lt3A_331 = vector.broadcast %get3A_310 : i32 to vector<200x200xi32>
    %lt3A_332 = arith.cmpi slt, %iota3A_315, %lt3A_331 : vector<200x200xi32>
    %jit3A_333 = arith.constant 0xFF800000 : f32
    %broadcast_in_dim3A_334 = vector.broadcast %jit3A_333 : f32 to vector<200x200xf32>
    %select_n3A_335 = arith.select %lt3A_332, %dot_general3A_306, %broadcast_in_dim3A_334 : vector<200x200xi1>, vector<200x200xf32>
    %reduce_max3A_336 = arith.constant dense<0xFF800000> : vector<200xf32>
    %reduce_max3A_337 = vector.multi_reduction <maximumf>, %select_n3A_335, %reduce_max3A_336 [0] : vector<200x200xf32> to vector<200xf32>
    %broadcast_in_dim3A_338 = vector.shape_cast %reduce_max3A_337 : vector<200xf32> to vector<1x200xf32>
    %iota3A_339 = tpu.iota {dimensions = array<i32: 1>} : vector<1x200xi32>
    %lt3A_340 = vector.broadcast %get3A_314 : i32 to vector<1x200xi32>
    %lt3A_341 = arith.cmpi slt, %iota3A_339, %lt3A_340 : vector<1x200xi32>
    %jit3A_342 = arith.constant 0.000000e+00 : f32
    %broadcast_in_dim3A_343 = vector.broadcast %jit3A_342 : f32 to vector<1x200xf32>
    %select_n3A_344 = arith.select %lt3A_341, %broadcast_in_dim3A_338, %broadcast_in_dim3A_343 : vector<1x200xi1>, vector<1x200xf32>
    %concatenate3A = tpu.concatenate %select_n3A_36, %select_n3A_78, %select_n3A_120, %select_n3A_162, %select_n3A_204, %select_n3A_246, %select_n3A_288, %select_n3A_330 in 1 : vector<200x1xf32>, vector<200x1xf32>, vector<200x1xf32>, vector<200x1xf32>, vector<200x1xf32>, vector<200x1xf32>, vector<200x1xf32>, vector<200x1xf32> -> vector<200x8xf32>
    %transpose3A = tpu.transpose %concatenate3A, [1, 0] : vector<200x8xf32> -> vector<8x200xf32>
    %swap3A = arith.constant 0 : index
    %swap3A_345 = arith.constant 0 : index
    %swap3A_346 = vector.load %arg4[%swap3A, %swap3A_345] : memref<8x200xf32, #tpu.memory_space<vmem>>, vector<8x200xf32>
    tpu.vector_store %arg4[%swap3A, %swap3A_345], %transpose3A {strides = array<i32>} : memref<8x200xf32, #tpu.memory_space<vmem>>, vector<8x200xf32>,
    %concatenate3A_347 = tpu.concatenate %select_n3A_50, %select_n3A_92, %select_n3A_134, %select_n3A_176, %select_n3A_218, %select_n3A_260, %select_n3A_302, %select_n3A_344 in 0 : vector<1x200xf32>, vector<1x200xf32>, vector<1x200xf32>, vector<1x200xf32>, vector<1x200xf32>, vector<1x200xf32>, vector<1x200xf32>, vector<1x200xf32> -> vector<8x200xf32>
    %swap3A_348 = arith.constant 0 : index
    %swap3A_349 = arith.constant 0 : index
    %swap3A_350 = vector.load %arg5[%swap3A_348, %swap3A_349] : memref<8x200xf32, #tpu.memory_space<vmem>>, vector<8x200xf32>
    tpu.vector_store %arg5[%swap3A_348, %swap3A_349], %concatenate3A_347 {strides = array<i32>} : memref<8x200xf32, #tpu.memory_space<vmem>>, vector<8x200xf32>,
    return
  }
  func.func @transform_0(%arg0: i32) -> i32 {
    %c0_i32 = arith.constant 0 : i32
    %c0_i32_0 = arith.constant 0 : i32
    return %c0_i32 : i32
  }
  func.func @transform_1(%arg0: i32) -> i32 {
    %c0_i32 = arith.constant 0 : i32
    %c0_i32_0 = arith.constant 0 : i32
    return %c0_i32 : i32
  }
  func.func @transform_2(%arg0: i32) -> (i32, i32) {
    %c0_i32 = arith.constant 0 : i32
    %c0_i32_0 = arith.constant 0 : i32
    return %arg0, %c0_i32 : i32, i32
  }
  func.func @transform_3(%arg0: i32) -> (i32, i32) {
    %c0_i32 = arith.constant 0 : i32
    %c0_i32_0 = arith.constant 0 : i32
    return %arg0, %c0_i32 : i32, i32
  }
  func.func @transform_4(%arg0: i32) -> (i32, i32) {
    %c0_i32 = arith.constant 0 : i32
    %c0_i32_0 = arith.constant 0 : i32
    return %arg0, %c0_i32 : i32, i32
  }
}

module attributes {stable_mosaic.version = 14 : i64} {
  func.func @body(%arg0: i32, %arg1: memref<1x1xf32, #tpu.memory_space<smem>>, %arg2: memref<1x1xf32, #tpu.memory_space<smem>>, %arg3: memref<512x400xbf16, #tpu.memory_space<vmem>>, %arg4: memref<512x1xi32, #tpu.memory_space<vmem>>, %arg5: memref<168x64xf32, #tpu.memory_space<vmem>>, %arg6: memref<64x512xbf16, #tpu.memory_space<vmem>>, %arg7: memref<128x512xbf16, #tpu.memory_space<vmem>>, %arg8: memref<1x512xf32, #tpu.memory_space<vmem>>, %arg9: memref<1x128xf32, #tpu.memory_space<vmem>>, %arg10: memref<512x128xf32, #tpu.memory_space<vmem>>, %arg11: memref<512x1xf32, #tpu.memory_space<vmem>>, %arg12: memref<512x128xbf16, #tpu.memory_space<vmem>>, %arg13: memref<512x128xf32, #tpu.memory_space<vmem>>, %arg14: memref<512x128xf32, #tpu.memory_space<vmem>>, %arg15: memref<512x1xf32, #tpu.memory_space<vmem>>, %arg16: memref<168x512xbf16, #tpu.memory_space<vmem>>) attributes {dimension_semantics = [#tpu.dimension_semantics<arbitrary>], iteration_bounds = array<i64: 20>, scalar_prefetch = 0 : i64, scratch_operands = 5 : i64, tpu.core_type = #tpu.core_type<tc>, window_params = [{transform_indices = @transform_0, window_bounds = array<i64: 1, 1>}, {transform_indices = @transform_1, window_bounds = array<i64: 1, 1>}, {pipeline_mode = #tpu.pipeline_mode<synchronous>, transform_indices = @transform_2, window_bounds = array<i64: 512, 400>}, {pipeline_mode = #tpu.pipeline_mode<synchronous>, transform_indices = @transform_3, window_bounds = array<i64: 512, 1>}, {pipeline_mode = #tpu.pipeline_mode<synchronous>, transform_indices = @transform_4, window_bounds = array<i64: 168, 64>}, {pipeline_mode = #tpu.pipeline_mode<synchronous>, transform_indices = @transform_5, window_bounds = array<i64: 64, 512>}, {pipeline_mode = #tpu.pipeline_mode<synchronous>, transform_indices = @transform_6, window_bounds = array<i64: 128, 512>}, {pipeline_mode = #tpu.pipeline_mode<synchronous>, transform_indices = @transform_7, window_bounds = array<i64: 1, 512>}, {pipeline_mode = #tpu.pipeline_mode<synchronous>, transform_indices = @transform_8, window_bounds = array<i64: 1, 128>}, {pipeline_mode = #tpu.pipeline_mode<synchronous>, transform_indices = @transform_9, window_bounds = array<i64: 512, 128>}, {pipeline_mode = #tpu.pipeline_mode<synchronous>, transform_indices = @transform_10, window_bounds = array<i64: 512, 1>}]} {
    %eq3A = arith.constant 0 : i32
    %eq3A_0 = arith.cmpi eq, %arg0, %eq3A : i32
    %convert_element_type3A = arith.extui %eq3A_0 : i1 to i32
    %cond3A = arith.constant 0 : i32
    %cond3A_1 = arith.cmpi ne, %convert_element_type3A, %cond3A : i32
    scf.if %cond3A_1 {
      %broadcast_in_dim3A_1116 = arith.constant 0.000000e+00 : bf16
      %broadcast_in_dim3A_1117 = vector.broadcast %broadcast_in_dim3A_1116 : bf16 to vector<512x128xbf16>
      %swap3A_1118 = arith.constant 0 : index
      %swap3A_1119 = arith.constant 0 : index
      %swap3A_1120 = vector.load %arg12[%swap3A_1118, %swap3A_1119] : memref<512x128xbf16, #tpu.memory_space<vmem>>, vector<512x128xbf16>
      tpu.vector_store %arg12[%swap3A_1118, %swap3A_1119], %broadcast_in_dim3A_1117 {strides = array<i32>} : memref<512x128xbf16, #tpu.memory_space<vmem>>, vector<512x128xbf16>,
      %broadcast_in_dim3A_1121 = arith.constant 0.000000e+00 : f32
      %broadcast_in_dim3A_1122 = vector.broadcast %broadcast_in_dim3A_1121 : f32 to vector<512x128xf32>
      %swap3A_1123 = arith.constant 0 : index
      %swap3A_1124 = arith.constant 0 : index
      %swap3A_1125 = vector.load %arg13[%swap3A_1123, %swap3A_1124] : memref<512x128xf32, #tpu.memory_space<vmem>>, vector<512x128xf32>
      tpu.vector_store %arg13[%swap3A_1123, %swap3A_1124], %broadcast_in_dim3A_1122 {strides = array<i32>} : memref<512x128xf32, #tpu.memory_space<vmem>>, vector<512x128xf32>,
      %broadcast_in_dim3A_1126 = arith.constant 0.000000e+00 : f32
      %broadcast_in_dim3A_1127 = vector.broadcast %broadcast_in_dim3A_1126 : f32 to vector<512x128xf32>
      %swap3A_1128 = arith.constant 0 : index
      %swap3A_1129 = arith.constant 0 : index
      %swap3A_1130 = vector.load %arg14[%swap3A_1128, %swap3A_1129] : memref<512x128xf32, #tpu.memory_space<vmem>>, vector<512x128xf32>
      tpu.vector_store %arg14[%swap3A_1128, %swap3A_1129], %broadcast_in_dim3A_1127 {strides = array<i32>} : memref<512x128xf32, #tpu.memory_space<vmem>>, vector<512x128xf32>,
      %broadcast_in_dim3A_1131 = arith.constant 0.000000e+00 : f32
      %broadcast_in_dim3A_1132 = vector.broadcast %broadcast_in_dim3A_1131 : f32 to vector<512x1xf32>
      %swap3A_1133 = arith.constant 0 : index
      %swap3A_1134 = arith.constant 0 : index
      %swap3A_1135 = vector.load %arg15[%swap3A_1133, %swap3A_1134] : memref<512x1xf32, #tpu.memory_space<vmem>>, vector<512x1xf32>
      tpu.vector_store %arg15[%swap3A_1133, %swap3A_1134], %broadcast_in_dim3A_1132 {strides = array<i32>} : memref<512x1xf32, #tpu.memory_space<vmem>>, vector<512x1xf32>,
      %get3A_1136 = arith.constant 0 : index
      %get3A_1137 = arith.constant 0 : index
      %get3A_1138 = vector.load %arg5[%get3A_1136, %get3A_1137] : memref<168x64xf32, #tpu.memory_space<vmem>>, vector<168x64xf32>
      %convert_element_type3A_1139 = arith.truncf %get3A_1138 : vector<168x64xf32> to vector<168x64xbf16>
      %get3A_1140 = arith.constant 0 : index
      %get3A_1141 = arith.constant 0 : index
      %get3A_1142 = vector.load %arg6[%get3A_1140, %get3A_1141] : memref<64x512xbf16, #tpu.memory_space<vmem>>, vector<64x512xbf16>
      %dot_general3A_1143 = arith.constant dense<0.000000e+00> : vector<168x512xf32>
      %dot_general3A_1144 = tpu.matmul %convert_element_type3A_1139, %get3A_1142, %dot_general3A_1143 {dimension_numbers = #tpu.dot_dimension_numbers<[1], [0], [0], [1], [0, 0, 1, 1], [], []>, transpose_lhs_hint = false} : vector<168x64xbf16>, vector<64x512xbf16>, vector<168x512xf32> -> vector<168x512xf32>
      %convert_element_type3A_1145 = arith.truncf %dot_general3A_1144 : vector<168x512xf32> to vector<168x512xbf16>
      %swap3A_1146 = arith.constant 0 : index
      %swap3A_1147 = arith.constant 0 : index
      %swap3A_1148 = vector.load %arg16[%swap3A_1146, %swap3A_1147] : memref<168x512xbf16, #tpu.memory_space<vmem>>, vector<168x512xbf16>
      tpu.vector_store %arg16[%swap3A_1146, %swap3A_1147], %convert_element_type3A_1145 {strides = array<i32>} : memref<168x512xbf16, #tpu.memory_space<vmem>>, vector<168x512xbf16>,
    } else {
    }
    %get3A = arith.constant 0 : index
    %get3A_2 = arith.constant 0 : index
    %get3A_3 = memref.load %arg1[%get3A, %get3A_2] : memref<1x1xf32, #tpu.memory_space<smem>>
    %get3A_4 = arith.constant 0 : index
    %get3A_5 = arith.constant 0 : index
    %get3A_6 = memref.load %arg2[%get3A_4, %get3A_5] : memref<1x1xf32, #tpu.memory_space<smem>>
    %get3A_7 = arith.constant 0 : index
    %get3A_8 = arith.constant 0 : index
    %get3A_9 = vector.load %arg4[%get3A_7, %get3A_8] : memref<512x1xi32, #tpu.memory_space<vmem>>, vector<512x1xi32>
    %sub3A = arith.constant 1 : i32
    %sub3A_10 = vector.broadcast %sub3A : i32 to vector<512x1xi32>
    %sub3A_11 = arith.subi %get3A_9, %sub3A_10 : vector<512x1xi32>
    %get3A_12 = arith.constant 0 : index
    %get3A_13 = arith.constant 0 : index
    %get3A_14 = vector.load %arg12[%get3A_12, %get3A_13] : memref<512x128xbf16, #tpu.memory_space<vmem>>, vector<512x128xbf16>
    %get3A_15 = arith.constant 0 : index
    %get3A_16 = arith.constant 0 : index
    %get3A_17 = vector.load %arg13[%get3A_15, %get3A_16] : memref<512x128xf32, #tpu.memory_space<vmem>>, vector<512x128xf32>
    %get3A_18 = arith.constant 0 : index
    %get3A_19 = arith.constant 0 : index
    %get3A_20 = vector.load %arg14[%get3A_18, %get3A_19] : memref<512x128xf32, #tpu.memory_space<vmem>>, vector<512x128xf32>
    %get3A_21 = arith.constant 0 : index
    %get3A_22 = arith.constant 0 : index
    %get3A_23 = vector.load %arg15[%get3A_21, %get3A_22] : memref<512x1xf32, #tpu.memory_space<vmem>>, vector<512x1xf32>
    %mul3A = arith.constant 10 : i32
    %mul3A_24 = arith.muli %arg0, %mul3A : i32
    %add3A = arith.constant 0 : i32
    %add3A_25 = arith.addi %mul3A_24, %add3A : i32
    %iota3A = tpu.iota {dimensions = array<i32: 0>} : vector<400x2xi32>
    %iota3A_26 = tpu.iota {dimensions = array<i32: 1>} : vector<400x2xi32>
    %mul3A_27 = arith.constant 200 : i32
    %mul3A_28 = vector.broadcast %mul3A_27 : i32 to vector<400x2xi32>
    %mul3A_29 = arith.muli %mul3A_28, %iota3A_26 : vector<400x2xi32>
    %add3A_30 = vector.broadcast %add3A_25 : i32 to vector<400x2xi32>
    %add3A_31 = arith.addi %add3A_30, %mul3A_29 : vector<400x2xi32>
    %eq3A_32 = arith.cmpi eq, %iota3A, %add3A_31 : vector<400x2xi32>
    %convert_element_type3A_33 = arith.extui %eq3A_32 : vector<400x2xi1> to vector<400x2xi32>
    %convert_element_type3A_34 = arith.sitofp %convert_element_type3A_33 : vector<400x2xi32> to vector<400x2xf32>
    %convert_element_type3A_35 = arith.truncf %convert_element_type3A_34 : vector<400x2xf32> to vector<400x2xbf16>
    %get3A_36 = arith.constant 0 : index
    %get3A_37 = arith.constant 0 : index
    %get3A_38 = vector.load %arg3[%get3A_36, %get3A_37] : memref<512x400xbf16, #tpu.memory_space<vmem>>, vector<512x400xbf16>
    %dot_general3A = arith.constant dense<0.000000e+00> : vector<512x2xf32>
    %dot_general3A_39 = tpu.matmul %get3A_38, %convert_element_type3A_35, %dot_general3A {dimension_numbers = #tpu.dot_dimension_numbers<[1], [0], [0], [1], [0, 0, 1, 1], [], []>, transpose_lhs_hint = false} : vector<512x400xbf16>, vector<400x2xbf16>, vector<512x2xf32> -> vector<512x2xf32>
    %slice3A = vector.extract_strided_slice %dot_general3A_39 {offsets = [0, 0], sizes = [512, 1], strides = [1, 1]} : vector<512x2xf32> to vector<512x1xf32>
    %slice3A_40 = vector.extract_strided_slice %dot_general3A_39 {offsets = [0, 1], sizes = [512, 1], strides = [1, 1]} : vector<512x2xf32> to vector<512x1xf32>
    %convert_element_type3A_41 = arith.fptosi %slice3A_40 : vector<512x1xf32> to vector<512x1xi32>
    %iota3A_42 = tpu.iota {dimensions = array<i32: 1>} : vector<512x168xi32>
    %eq3A_43 = vector.broadcast %convert_element_type3A_41 : vector<512x1xi32> to vector<512x168xi32>
    %eq3A_44 = arith.cmpi eq, %eq3A_43, %iota3A_42 : vector<512x168xi32>
    %convert_element_type3A_45 = arith.extui %eq3A_44 : vector<512x168xi1> to vector<512x168xi32>
    %convert_element_type3A_46 = arith.sitofp %convert_element_type3A_45 : vector<512x168xi32> to vector<512x168xf32>
    %convert_element_type3A_47 = arith.truncf %convert_element_type3A_46 : vector<512x168xf32> to vector<512x168xbf16>
    %get3A_48 = arith.constant 0 : index
    %get3A_49 = arith.constant 0 : index
    %get3A_50 = vector.load %arg16[%get3A_48, %get3A_49] : memref<168x512xbf16, #tpu.memory_space<vmem>>, vector<168x512xbf16>
    %dot_general3A_51 = arith.constant dense<0.000000e+00> : vector<512x512xf32>
    %dot_general3A_52 = tpu.matmul %convert_element_type3A_47, %get3A_50, %dot_general3A_51 {dimension_numbers = #tpu.dot_dimension_numbers<[1], [0], [0], [1], [0, 0, 1, 1], [], []>, transpose_lhs_hint = false} : vector<512x168xbf16>, vector<168x512xbf16>, vector<512x512xf32> -> vector<512x512xf32>
    %get3A_53 = arith.constant 0 : index
    %get3A_54 = arith.constant 0 : index
    %get3A_55 = vector.load %arg7[%get3A_53, %get3A_54] : memref<128x512xbf16, #tpu.memory_space<vmem>>, vector<128x512xbf16>
    %dot_general3A_56 = arith.constant dense<0.000000e+00> : vector<512x512xf32>
    %dot_general3A_57 = tpu.matmul %get3A_14, %get3A_55, %dot_general3A_56 {dimension_numbers = #tpu.dot_dimension_numbers<[1], [0], [0], [1], [0, 0, 1, 1], [], []>, transpose_lhs_hint = false} : vector<512x128xbf16>, vector<128x512xbf16>, vector<512x512xf32> -> vector<512x512xf32>
    %add3A_58 = arith.addf %dot_general3A_52, %dot_general3A_57 : vector<512x512xf32>
    %get3A_59 = arith.constant 0 : index
    %get3A_60 = arith.constant 0 : index
    %get3A_61 = vector.load %arg8[%get3A_59, %get3A_60] : memref<1x512xf32, #tpu.memory_space<vmem>>, vector<1x512xf32>
    %add3A_62 = vector.broadcast %get3A_61 : vector<1x512xf32> to vector<512x512xf32>
    %add3A_63 = arith.addf %add3A_58, %add3A_62 : vector<512x512xf32>
    %slice3A_64 = vector.extract_strided_slice %add3A_63 {offsets = [0, 0], sizes = [512, 128], strides = [1, 1]} : vector<512x512xf32> to vector<512x128xf32>
    %logistic3A = arith.negf %slice3A_64 : vector<512x128xf32>
    %logistic3A_65 = math.exp %logistic3A : vector<512x128xf32>
    %logistic3A_66 = arith.constant 1.000000e+00 : f32
    %logistic3A_67 = vector.broadcast %logistic3A_66 : f32 to vector<512x128xf32>
    %logistic3A_68 = arith.addf %logistic3A_67, %logistic3A_65 : vector<512x128xf32>
    %logistic3A_69 = arith.divf %logistic3A_67, %logistic3A_68 : vector<512x128xf32>
    %slice3A_70 = vector.extract_strided_slice %add3A_63 {offsets = [0, 128], sizes = [512, 128], strides = [1, 1]} : vector<512x512xf32> to vector<512x128xf32>
    %logistic3A_71 = arith.negf %slice3A_70 : vector<512x128xf32>
    %logistic3A_72 = math.exp %logistic3A_71 : vector<512x128xf32>
    %logistic3A_73 = arith.constant 1.000000e+00 : f32
    %logistic3A_74 = vector.broadcast %logistic3A_73 : f32 to vector<512x128xf32>
    %logistic3A_75 = arith.addf %logistic3A_74, %logistic3A_72 : vector<512x128xf32>
    %logistic3A_76 = arith.divf %logistic3A_74, %logistic3A_75 : vector<512x128xf32>
    %slice3A_77 = vector.extract_strided_slice %add3A_63 {offsets = [0, 256], sizes = [512, 128], strides = [1, 1]} : vector<512x512xf32> to vector<512x128xf32>
    %tanh3A = math.tanh %slice3A_77 : vector<512x128xf32>
    %slice3A_78 = vector.extract_strided_slice %add3A_63 {offsets = [0, 384], sizes = [512, 128], strides = [1, 1]} : vector<512x512xf32> to vector<512x128xf32>
    %logistic3A_79 = arith.negf %slice3A_78 : vector<512x128xf32>
    %logistic3A_80 = math.exp %logistic3A_79 : vector<512x128xf32>
    %logistic3A_81 = arith.constant 1.000000e+00 : f32
    %logistic3A_82 = vector.broadcast %logistic3A_81 : f32 to vector<512x128xf32>
    %logistic3A_83 = arith.addf %logistic3A_82, %logistic3A_80 : vector<512x128xf32>
    %logistic3A_84 = arith.divf %logistic3A_82, %logistic3A_83 : vector<512x128xf32>
    %mul3A_85 = arith.mulf %logistic3A_76, %get3A_17 : vector<512x128xf32>
    %mul3A_86 = arith.mulf %logistic3A_69, %tanh3A : vector<512x128xf32>
    %add3A_87 = arith.addf %mul3A_85, %mul3A_86 : vector<512x128xf32>
    %tanh3A_88 = math.tanh %add3A_87 : vector<512x128xf32>
    %mul3A_89 = arith.mulf %logistic3A_84, %tanh3A_88 : vector<512x128xf32>
    %convert_element_type3A_90 = arith.truncf %mul3A_89 : vector<512x128xf32> to vector<512x128xbf16>
    %get3A_91 = arith.constant 0 : index
    %get3A_92 = arith.constant 0 : index
    %get3A_93 = vector.load %arg9[%get3A_91, %get3A_92] : memref<1x128xf32, #tpu.memory_space<vmem>>, vector<1x128xf32>
    %mul3A_94 = vector.broadcast %get3A_93 : vector<1x128xf32> to vector<512x128xf32>
    %mul3A_95 = arith.mulf %mul3A_89, %mul3A_94 : vector<512x128xf32>
    %reduce_sum3A = arith.constant dense<0.000000e+00> : vector<512xf32>
    %reduce_sum3A_96 = vector.multi_reduction <add>, %mul3A_95, %reduce_sum3A [1] : vector<512x128xf32> to vector<512xf32>
    %broadcast_in_dim3A = vector.shape_cast %reduce_sum3A_96 : vector<512xf32> to vector<512x1xf32>
    %mul3A_97 = vector.broadcast %get3A_3 : f32 to vector<512x1xf32>
    %mul3A_98 = arith.mulf %mul3A_97, %slice3A : vector<512x1xf32>
    %add3A_99 = arith.addf %broadcast_in_dim3A, %mul3A_98 : vector<512x1xf32>
    %add3A_100 = vector.broadcast %get3A_6 : f32 to vector<512x1xf32>
    %add3A_101 = arith.addf %add3A_99, %add3A_100 : vector<512x1xf32>
    %add3A_102 = vector.broadcast %get3A_6 : f32 to vector<512x1xf32>
    %add3A_103 = arith.addf %broadcast_in_dim3A, %add3A_102 : vector<512x1xf32>
    %exp3A = math.exp %add3A_103 : vector<512x1xf32>
    %add3A_104 = arith.addf %broadcast_in_dim3A, %mul3A_98 : vector<512x1xf32>
    %add3A_105 = vector.broadcast %get3A_6 : f32 to vector<512x1xf32>
    %add3A_106 = arith.addf %add3A_104, %add3A_105 : vector<512x1xf32>
    %exp3A_107 = math.exp %add3A_106 : vector<512x1xf32>
    %sub3A_108 = arith.subf %exp3A, %exp3A_107 : vector<512x1xf32>
    %div3A = vector.broadcast %get3A_3 : f32 to vector<512x1xf32>
    %div3A_109 = arith.divf %sub3A_108, %div3A : vector<512x1xf32>
    %add3A_110 = arith.addf %add3A_101, %div3A_109 : vector<512x1xf32>
    %lt3A = vector.broadcast %add3A_25 : i32 to vector<512x1xi32>
    %lt3A_111 = arith.cmpi slt, %lt3A, %sub3A_11 : vector<512x1xi32>
    %jit3A = arith.constant 0.000000e+00 : f32
    %broadcast_in_dim3A_112 = vector.broadcast %jit3A : f32 to vector<512x1xf32>
    %select_n3A = arith.select %lt3A_111, %add3A_110, %broadcast_in_dim3A_112 : vector<512x1xi1>, vector<512x1xf32>
    %add3A_113 = arith.addf %get3A_23, %select_n3A : vector<512x1xf32>
    %eq3A_114 = vector.broadcast %add3A_25 : i32 to vector<512x1xi32>
    %eq3A_115 = arith.cmpi eq, %sub3A_11, %eq3A_114 : vector<512x1xi32>
    %broadcast_in_dim3A_116 = vector.shape_cast %eq3A_115 : vector<512x1xi1> to vector<512x1xi1>
    %broadcast_in_dim3A_117 = vector.broadcast %broadcast_in_dim3A_116 : vector<512x1xi1> to vector<512x128xi1>
    %select_n3A_118 = arith.select %broadcast_in_dim3A_117, %mul3A_89, %get3A_20 : vector<512x128xi1>, vector<512x128xf32>
    %mul3A_119 = arith.constant 10 : i32
    %mul3A_120 = arith.muli %arg0, %mul3A_119 : i32
    %add3A_121 = arith.constant 1 : i32
    %add3A_122 = arith.addi %mul3A_120, %add3A_121 : i32
    %iota3A_123 = tpu.iota {dimensions = array<i32: 0>} : vector<400x2xi32>
    %iota3A_124 = tpu.iota {dimensions = array<i32: 1>} : vector<400x2xi32>
    %mul3A_125 = arith.constant 200 : i32
    %mul3A_126 = vector.broadcast %mul3A_125 : i32 to vector<400x2xi32>
    %mul3A_127 = arith.muli %mul3A_126, %iota3A_124 : vector<400x2xi32>
    %add3A_128 = vector.broadcast %add3A_122 : i32 to vector<400x2xi32>
    %add3A_129 = arith.addi %add3A_128, %mul3A_127 : vector<400x2xi32>
    %eq3A_130 = arith.cmpi eq, %iota3A_123, %add3A_129 : vector<400x2xi32>
    %convert_element_type3A_131 = arith.extui %eq3A_130 : vector<400x2xi1> to vector<400x2xi32>
    %convert_element_type3A_132 = arith.sitofp %convert_element_type3A_131 : vector<400x2xi32> to vector<400x2xf32>
    %convert_element_type3A_133 = arith.truncf %convert_element_type3A_132 : vector<400x2xf32> to vector<400x2xbf16>
    %get3A_134 = arith.constant 0 : index
    %get3A_135 = arith.constant 0 : index
    %get3A_136 = vector.load %arg3[%get3A_134, %get3A_135] : memref<512x400xbf16, #tpu.memory_space<vmem>>, vector<512x400xbf16>
    %dot_general3A_137 = arith.constant dense<0.000000e+00> : vector<512x2xf32>
    %dot_general3A_138 = tpu.matmul %get3A_136, %convert_element_type3A_133, %dot_general3A_137 {dimension_numbers = #tpu.dot_dimension_numbers<[1], [0], [0], [1], [0, 0, 1, 1], [], []>, transpose_lhs_hint = false} : vector<512x400xbf16>, vector<400x2xbf16>, vector<512x2xf32> -> vector<512x2xf32>
    %slice3A_139 = vector.extract_strided_slice %dot_general3A_138 {offsets = [0, 0], sizes = [512, 1], strides = [1, 1]} : vector<512x2xf32> to vector<512x1xf32>
    %slice3A_140 = vector.extract_strided_slice %dot_general3A_138 {offsets = [0, 1], sizes = [512, 1], strides = [1, 1]} : vector<512x2xf32> to vector<512x1xf32>
    %convert_element_type3A_141 = arith.fptosi %slice3A_140 : vector<512x1xf32> to vector<512x1xi32>
    %iota3A_142 = tpu.iota {dimensions = array<i32: 1>} : vector<512x168xi32>
    %eq3A_143 = vector.broadcast %convert_element_type3A_141 : vector<512x1xi32> to vector<512x168xi32>
    %eq3A_144 = arith.cmpi eq, %eq3A_143, %iota3A_142 : vector<512x168xi32>
    %convert_element_type3A_145 = arith.extui %eq3A_144 : vector<512x168xi1> to vector<512x168xi32>
    %convert_element_type3A_146 = arith.sitofp %convert_element_type3A_145 : vector<512x168xi32> to vector<512x168xf32>
    %convert_element_type3A_147 = arith.truncf %convert_element_type3A_146 : vector<512x168xf32> to vector<512x168xbf16>
    %get3A_148 = arith.constant 0 : index
    %get3A_149 = arith.constant 0 : index
    %get3A_150 = vector.load %arg16[%get3A_148, %get3A_149] : memref<168x512xbf16, #tpu.memory_space<vmem>>, vector<168x512xbf16>
    %dot_general3A_151 = arith.constant dense<0.000000e+00> : vector<512x512xf32>
    %dot_general3A_152 = tpu.matmul %convert_element_type3A_147, %get3A_150, %dot_general3A_151 {dimension_numbers = #tpu.dot_dimension_numbers<[1], [0], [0], [1], [0, 0, 1, 1], [], []>, transpose_lhs_hint = false} : vector<512x168xbf16>, vector<168x512xbf16>, vector<512x512xf32> -> vector<512x512xf32>
    %get3A_153 = arith.constant 0 : index
    %get3A_154 = arith.constant 0 : index
    %get3A_155 = vector.load %arg7[%get3A_153, %get3A_154] : memref<128x512xbf16, #tpu.memory_space<vmem>>, vector<128x512xbf16>
    %dot_general3A_156 = arith.constant dense<0.000000e+00> : vector<512x512xf32>
    %dot_general3A_157 = tpu.matmul %convert_element_type3A_90, %get3A_155, %dot_general3A_156 {dimension_numbers = #tpu.dot_dimension_numbers<[1], [0], [0], [1], [0, 0, 1, 1], [], []>, transpose_lhs_hint = false} : vector<512x128xbf16>, vector<128x512xbf16>, vector<512x512xf32> -> vector<512x512xf32>
    %add3A_158 = arith.addf %dot_general3A_152, %dot_general3A_157 : vector<512x512xf32>
    %get3A_159 = arith.constant 0 : index
    %get3A_160 = arith.constant 0 : index
    %get3A_161 = vector.load %arg8[%get3A_159, %get3A_160] : memref<1x512xf32, #tpu.memory_space<vmem>>, vector<1x512xf32>
    %add3A_162 = vector.broadcast %get3A_161 : vector<1x512xf32> to vector<512x512xf32>
    %add3A_163 = arith.addf %add3A_158, %add3A_162 : vector<512x512xf32>
    %slice3A_164 = vector.extract_strided_slice %add3A_163 {offsets = [0, 0], sizes = [512, 128], strides = [1, 1]} : vector<512x512xf32> to vector<512x128xf32>
    %logistic3A_165 = arith.negf %slice3A_164 : vector<512x128xf32>
    %logistic3A_166 = math.exp %logistic3A_165 : vector<512x128xf32>
    %logistic3A_167 = arith.constant 1.000000e+00 : f32
    %logistic3A_168 = vector.broadcast %logistic3A_167 : f32 to vector<512x128xf32>
    %logistic3A_169 = arith.addf %logistic3A_168, %logistic3A_166 : vector<512x128xf32>
    %logistic3A_170 = arith.divf %logistic3A_168, %logistic3A_169 : vector<512x128xf32>
    %slice3A_171 = vector.extract_strided_slice %add3A_163 {offsets = [0, 128], sizes = [512, 128], strides = [1, 1]} : vector<512x512xf32> to vector<512x128xf32>
    %logistic3A_172 = arith.negf %slice3A_171 : vector<512x128xf32>
    %logistic3A_173 = math.exp %logistic3A_172 : vector<512x128xf32>
    %logistic3A_174 = arith.constant 1.000000e+00 : f32
    %logistic3A_175 = vector.broadcast %logistic3A_174 : f32 to vector<512x128xf32>
    %logistic3A_176 = arith.addf %logistic3A_175, %logistic3A_173 : vector<512x128xf32>
    %logistic3A_177 = arith.divf %logistic3A_175, %logistic3A_176 : vector<512x128xf32>
    %slice3A_178 = vector.extract_strided_slice %add3A_163 {offsets = [0, 256], sizes = [512, 128], strides = [1, 1]} : vector<512x512xf32> to vector<512x128xf32>
    %tanh3A_179 = math.tanh %slice3A_178 : vector<512x128xf32>
    %slice3A_180 = vector.extract_strided_slice %add3A_163 {offsets = [0, 384], sizes = [512, 128], strides = [1, 1]} : vector<512x512xf32> to vector<512x128xf32>
    %logistic3A_181 = arith.negf %slice3A_180 : vector<512x128xf32>
    %logistic3A_182 = math.exp %logistic3A_181 : vector<512x128xf32>
    %logistic3A_183 = arith.constant 1.000000e+00 : f32
    %logistic3A_184 = vector.broadcast %logistic3A_183 : f32 to vector<512x128xf32>
    %logistic3A_185 = arith.addf %logistic3A_184, %logistic3A_182 : vector<512x128xf32>
    %logistic3A_186 = arith.divf %logistic3A_184, %logistic3A_185 : vector<512x128xf32>
    %mul3A_187 = arith.mulf %logistic3A_177, %add3A_87 : vector<512x128xf32>
    %mul3A_188 = arith.mulf %logistic3A_170, %tanh3A_179 : vector<512x128xf32>
    %add3A_189 = arith.addf %mul3A_187, %mul3A_188 : vector<512x128xf32>
    %tanh3A_190 = math.tanh %add3A_189 : vector<512x128xf32>
    %mul3A_191 = arith.mulf %logistic3A_186, %tanh3A_190 : vector<512x128xf32>
    %convert_element_type3A_192 = arith.truncf %mul3A_191 : vector<512x128xf32> to vector<512x128xbf16>
    %get3A_193 = arith.constant 0 : index
    %get3A_194 = arith.constant 0 : index
    %get3A_195 = vector.load %arg9[%get3A_193, %get3A_194] : memref<1x128xf32, #tpu.memory_space<vmem>>, vector<1x128xf32>
    %mul3A_196 = vector.broadcast %get3A_195 : vector<1x128xf32> to vector<512x128xf32>
    %mul3A_197 = arith.mulf %mul3A_191, %mul3A_196 : vector<512x128xf32>
    %reduce_sum3A_198 = arith.constant dense<0.000000e+00> : vector<512xf32>
    %reduce_sum3A_199 = vector.multi_reduction <add>, %mul3A_197, %reduce_sum3A_198 [1] : vector<512x128xf32> to vector<512xf32>
    %broadcast_in_dim3A_200 = vector.shape_cast %reduce_sum3A_199 : vector<512xf32> to vector<512x1xf32>
    %mul3A_201 = vector.broadcast %get3A_3 : f32 to vector<512x1xf32>
    %mul3A_202 = arith.mulf %mul3A_201, %slice3A_139 : vector<512x1xf32>
    %add3A_203 = arith.addf %broadcast_in_dim3A_200, %mul3A_202 : vector<512x1xf32>
    %add3A_204 = vector.broadcast %get3A_6 : f32 to vector<512x1xf32>
    %add3A_205 = arith.addf %add3A_203, %add3A_204 : vector<512x1xf32>
    %add3A_206 = vector.broadcast %get3A_6 : f32 to vector<512x1xf32>
    %add3A_207 = arith.addf %broadcast_in_dim3A_200, %add3A_206 : vector<512x1xf32>
    %exp3A_208 = math.exp %add3A_207 : vector<512x1xf32>
    %add3A_209 = arith.addf %broadcast_in_dim3A_200, %mul3A_202 : vector<512x1xf32>
    %add3A_210 = vector.broadcast %get3A_6 : f32 to vector<512x1xf32>
    %add3A_211 = arith.addf %add3A_209, %add3A_210 : vector<512x1xf32>
    %exp3A_212 = math.exp %add3A_211 : vector<512x1xf32>
    %sub3A_213 = arith.subf %exp3A_208, %exp3A_212 : vector<512x1xf32>
    %div3A_214 = vector.broadcast %get3A_3 : f32 to vector<512x1xf32>
    %div3A_215 = arith.divf %sub3A_213, %div3A_214 : vector<512x1xf32>
    %add3A_216 = arith.addf %add3A_205, %div3A_215 : vector<512x1xf32>
    %lt3A_217 = vector.broadcast %add3A_122 : i32 to vector<512x1xi32>
    %lt3A_218 = arith.cmpi slt, %lt3A_217, %sub3A_11 : vector<512x1xi32>
    %jit3A_219 = arith.constant 0.000000e+00 : f32
    %broadcast_in_dim3A_220 = vector.broadcast %jit3A_219 : f32 to vector<512x1xf32>
    %select_n3A_221 = arith.select %lt3A_218, %add3A_216, %broadcast_in_dim3A_220 : vector<512x1xi1>, vector<512x1xf32>
    %add3A_222 = arith.addf %add3A_113, %select_n3A_221 : vector<512x1xf32>
    %eq3A_223 = vector.broadcast %add3A_122 : i32 to vector<512x1xi32>
    %eq3A_224 = arith.cmpi eq, %sub3A_11, %eq3A_223 : vector<512x1xi32>
    %broadcast_in_dim3A_225 = vector.shape_cast %eq3A_224 : vector<512x1xi1> to vector<512x1xi1>
    %broadcast_in_dim3A_226 = vector.broadcast %broadcast_in_dim3A_225 : vector<512x1xi1> to vector<512x128xi1>
    %select_n3A_227 = arith.select %broadcast_in_dim3A_226, %mul3A_191, %select_n3A_118 : vector<512x128xi1>, vector<512x128xf32>
    %mul3A_228 = arith.constant 10 : i32
    %mul3A_229 = arith.muli %arg0, %mul3A_228 : i32
    %add3A_230 = arith.constant 2 : i32
    %add3A_231 = arith.addi %mul3A_229, %add3A_230 : i32
    %iota3A_232 = tpu.iota {dimensions = array<i32: 0>} : vector<400x2xi32>
    %iota3A_233 = tpu.iota {dimensions = array<i32: 1>} : vector<400x2xi32>
    %mul3A_234 = arith.constant 200 : i32
    %mul3A_235 = vector.broadcast %mul3A_234 : i32 to vector<400x2xi32>
    %mul3A_236 = arith.muli %mul3A_235, %iota3A_233 : vector<400x2xi32>
    %add3A_237 = vector.broadcast %add3A_231 : i32 to vector<400x2xi32>
    %add3A_238 = arith.addi %add3A_237, %mul3A_236 : vector<400x2xi32>
    %eq3A_239 = arith.cmpi eq, %iota3A_232, %add3A_238 : vector<400x2xi32>
    %convert_element_type3A_240 = arith.extui %eq3A_239 : vector<400x2xi1> to vector<400x2xi32>
    %convert_element_type3A_241 = arith.sitofp %convert_element_type3A_240 : vector<400x2xi32> to vector<400x2xf32>
    %convert_element_type3A_242 = arith.truncf %convert_element_type3A_241 : vector<400x2xf32> to vector<400x2xbf16>
    %get3A_243 = arith.constant 0 : index
    %get3A_244 = arith.constant 0 : index
    %get3A_245 = vector.load %arg3[%get3A_243, %get3A_244] : memref<512x400xbf16, #tpu.memory_space<vmem>>, vector<512x400xbf16>
    %dot_general3A_246 = arith.constant dense<0.000000e+00> : vector<512x2xf32>
    %dot_general3A_247 = tpu.matmul %get3A_245, %convert_element_type3A_242, %dot_general3A_246 {dimension_numbers = #tpu.dot_dimension_numbers<[1], [0], [0], [1], [0, 0, 1, 1], [], []>, transpose_lhs_hint = false} : vector<512x400xbf16>, vector<400x2xbf16>, vector<512x2xf32> -> vector<512x2xf32>
    %slice3A_248 = vector.extract_strided_slice %dot_general3A_247 {offsets = [0, 0], sizes = [512, 1], strides = [1, 1]} : vector<512x2xf32> to vector<512x1xf32>
    %slice3A_249 = vector.extract_strided_slice %dot_general3A_247 {offsets = [0, 1], sizes = [512, 1], strides = [1, 1]} : vector<512x2xf32> to vector<512x1xf32>
    %convert_element_type3A_250 = arith.fptosi %slice3A_249 : vector<512x1xf32> to vector<512x1xi32>
    %iota3A_251 = tpu.iota {dimensions = array<i32: 1>} : vector<512x168xi32>
    %eq3A_252 = vector.broadcast %convert_element_type3A_250 : vector<512x1xi32> to vector<512x168xi32>
    %eq3A_253 = arith.cmpi eq, %eq3A_252, %iota3A_251 : vector<512x168xi32>
    %convert_element_type3A_254 = arith.extui %eq3A_253 : vector<512x168xi1> to vector<512x168xi32>
    %convert_element_type3A_255 = arith.sitofp %convert_element_type3A_254 : vector<512x168xi32> to vector<512x168xf32>
    %convert_element_type3A_256 = arith.truncf %convert_element_type3A_255 : vector<512x168xf32> to vector<512x168xbf16>
    %get3A_257 = arith.constant 0 : index
    %get3A_258 = arith.constant 0 : index
    %get3A_259 = vector.load %arg16[%get3A_257, %get3A_258] : memref<168x512xbf16, #tpu.memory_space<vmem>>, vector<168x512xbf16>
    %dot_general3A_260 = arith.constant dense<0.000000e+00> : vector<512x512xf32>
    %dot_general3A_261 = tpu.matmul %convert_element_type3A_256, %get3A_259, %dot_general3A_260 {dimension_numbers = #tpu.dot_dimension_numbers<[1], [0], [0], [1], [0, 0, 1, 1], [], []>, transpose_lhs_hint = false} : vector<512x168xbf16>, vector<168x512xbf16>, vector<512x512xf32> -> vector<512x512xf32>
    %get3A_262 = arith.constant 0 : index
    %get3A_263 = arith.constant 0 : index
    %get3A_264 = vector.load %arg7[%get3A_262, %get3A_263] : memref<128x512xbf16, #tpu.memory_space<vmem>>, vector<128x512xbf16>
    %dot_general3A_265 = arith.constant dense<0.000000e+00> : vector<512x512xf32>
    %dot_general3A_266 = tpu.matmul %convert_element_type3A_192, %get3A_264, %dot_general3A_265 {dimension_numbers = #tpu.dot_dimension_numbers<[1], [0], [0], [1], [0, 0, 1, 1], [], []>, transpose_lhs_hint = false} : vector<512x128xbf16>, vector<128x512xbf16>, vector<512x512xf32> -> vector<512x512xf32>
    %add3A_267 = arith.addf %dot_general3A_261, %dot_general3A_266 : vector<512x512xf32>
    %get3A_268 = arith.constant 0 : index
    %get3A_269 = arith.constant 0 : index
    %get3A_270 = vector.load %arg8[%get3A_268, %get3A_269] : memref<1x512xf32, #tpu.memory_space<vmem>>, vector<1x512xf32>
    %add3A_271 = vector.broadcast %get3A_270 : vector<1x512xf32> to vector<512x512xf32>
    %add3A_272 = arith.addf %add3A_267, %add3A_271 : vector<512x512xf32>
    %slice3A_273 = vector.extract_strided_slice %add3A_272 {offsets = [0, 0], sizes = [512, 128], strides = [1, 1]} : vector<512x512xf32> to vector<512x128xf32>
    %logistic3A_274 = arith.negf %slice3A_273 : vector<512x128xf32>
    %logistic3A_275 = math.exp %logistic3A_274 : vector<512x128xf32>
    %logistic3A_276 = arith.constant 1.000000e+00 : f32
    %logistic3A_277 = vector.broadcast %logistic3A_276 : f32 to vector<512x128xf32>
    %logistic3A_278 = arith.addf %logistic3A_277, %logistic3A_275 : vector<512x128xf32>
    %logistic3A_279 = arith.divf %logistic3A_277, %logistic3A_278 : vector<512x128xf32>
    %slice3A_280 = vector.extract_strided_slice %add3A_272 {offsets = [0, 128], sizes = [512, 128], strides = [1, 1]} : vector<512x512xf32> to vector<512x128xf32>
    %logistic3A_281 = arith.negf %slice3A_280 : vector<512x128xf32>
    %logistic3A_282 = math.exp %logistic3A_281 : vector<512x128xf32>
    %logistic3A_283 = arith.constant 1.000000e+00 : f32
    %logistic3A_284 = vector.broadcast %logistic3A_283 : f32 to vector<512x128xf32>
    %logistic3A_285 = arith.addf %logistic3A_284, %logistic3A_282 : vector<512x128xf32>
    %logistic3A_286 = arith.divf %logistic3A_284, %logistic3A_285 : vector<512x128xf32>
    %slice3A_287 = vector.extract_strided_slice %add3A_272 {offsets = [0, 256], sizes = [512, 128], strides = [1, 1]} : vector<512x512xf32> to vector<512x128xf32>
    %tanh3A_288 = math.tanh %slice3A_287 : vector<512x128xf32>
    %slice3A_289 = vector.extract_strided_slice %add3A_272 {offsets = [0, 384], sizes = [512, 128], strides = [1, 1]} : vector<512x512xf32> to vector<512x128xf32>
    %logistic3A_290 = arith.negf %slice3A_289 : vector<512x128xf32>
    %logistic3A_291 = math.exp %logistic3A_290 : vector<512x128xf32>
    %logistic3A_292 = arith.constant 1.000000e+00 : f32
    %logistic3A_293 = vector.broadcast %logistic3A_292 : f32 to vector<512x128xf32>
    %logistic3A_294 = arith.addf %logistic3A_293, %logistic3A_291 : vector<512x128xf32>
    %logistic3A_295 = arith.divf %logistic3A_293, %logistic3A_294 : vector<512x128xf32>
    %mul3A_296 = arith.mulf %logistic3A_286, %add3A_189 : vector<512x128xf32>
    %mul3A_297 = arith.mulf %logistic3A_279, %tanh3A_288 : vector<512x128xf32>
    %add3A_298 = arith.addf %mul3A_296, %mul3A_297 : vector<512x128xf32>
    %tanh3A_299 = math.tanh %add3A_298 : vector<512x128xf32>
    %mul3A_300 = arith.mulf %logistic3A_295, %tanh3A_299 : vector<512x128xf32>
    %convert_element_type3A_301 = arith.truncf %mul3A_300 : vector<512x128xf32> to vector<512x128xbf16>
    %get3A_302 = arith.constant 0 : index
    %get3A_303 = arith.constant 0 : index
    %get3A_304 = vector.load %arg9[%get3A_302, %get3A_303] : memref<1x128xf32, #tpu.memory_space<vmem>>, vector<1x128xf32>
    %mul3A_305 = vector.broadcast %get3A_304 : vector<1x128xf32> to vector<512x128xf32>
    %mul3A_306 = arith.mulf %mul3A_300, %mul3A_305 : vector<512x128xf32>
    %reduce_sum3A_307 = arith.constant dense<0.000000e+00> : vector<512xf32>
    %reduce_sum3A_308 = vector.multi_reduction <add>, %mul3A_306, %reduce_sum3A_307 [1] : vector<512x128xf32> to vector<512xf32>
    %broadcast_in_dim3A_309 = vector.shape_cast %reduce_sum3A_308 : vector<512xf32> to vector<512x1xf32>
    %mul3A_310 = vector.broadcast %get3A_3 : f32 to vector<512x1xf32>
    %mul3A_311 = arith.mulf %mul3A_310, %slice3A_248 : vector<512x1xf32>
    %add3A_312 = arith.addf %broadcast_in_dim3A_309, %mul3A_311 : vector<512x1xf32>
    %add3A_313 = vector.broadcast %get3A_6 : f32 to vector<512x1xf32>
    %add3A_314 = arith.addf %add3A_312, %add3A_313 : vector<512x1xf32>
    %add3A_315 = vector.broadcast %get3A_6 : f32 to vector<512x1xf32>
    %add3A_316 = arith.addf %broadcast_in_dim3A_309, %add3A_315 : vector<512x1xf32>
    %exp3A_317 = math.exp %add3A_316 : vector<512x1xf32>
    %add3A_318 = arith.addf %broadcast_in_dim3A_309, %mul3A_311 : vector<512x1xf32>
    %add3A_319 = vector.broadcast %get3A_6 : f32 to vector<512x1xf32>
    %add3A_320 = arith.addf %add3A_318, %add3A_319 : vector<512x1xf32>
    %exp3A_321 = math.exp %add3A_320 : vector<512x1xf32>
    %sub3A_322 = arith.subf %exp3A_317, %exp3A_321 : vector<512x1xf32>
    %div3A_323 = vector.broadcast %get3A_3 : f32 to vector<512x1xf32>
    %div3A_324 = arith.divf %sub3A_322, %div3A_323 : vector<512x1xf32>
    %add3A_325 = arith.addf %add3A_314, %div3A_324 : vector<512x1xf32>
    %lt3A_326 = vector.broadcast %add3A_231 : i32 to vector<512x1xi32>
    %lt3A_327 = arith.cmpi slt, %lt3A_326, %sub3A_11 : vector<512x1xi32>
    %jit3A_328 = arith.constant 0.000000e+00 : f32
    %broadcast_in_dim3A_329 = vector.broadcast %jit3A_328 : f32 to vector<512x1xf32>
    %select_n3A_330 = arith.select %lt3A_327, %add3A_325, %broadcast_in_dim3A_329 : vector<512x1xi1>, vector<512x1xf32>
    %add3A_331 = arith.addf %add3A_222, %select_n3A_330 : vector<512x1xf32>
    %eq3A_332 = vector.broadcast %add3A_231 : i32 to vector<512x1xi32>
    %eq3A_333 = arith.cmpi eq, %sub3A_11, %eq3A_332 : vector<512x1xi32>
    %broadcast_in_dim3A_334 = vector.shape_cast %eq3A_333 : vector<512x1xi1> to vector<512x1xi1>
    %broadcast_in_dim3A_335 = vector.broadcast %broadcast_in_dim3A_334 : vector<512x1xi1> to vector<512x128xi1>
    %select_n3A_336 = arith.select %broadcast_in_dim3A_335, %mul3A_300, %select_n3A_227 : vector<512x128xi1>, vector<512x128xf32>
    %mul3A_337 = arith.constant 10 : i32
    %mul3A_338 = arith.muli %arg0, %mul3A_337 : i32
    %add3A_339 = arith.constant 3 : i32
    %add3A_340 = arith.addi %mul3A_338, %add3A_339 : i32
    %iota3A_341 = tpu.iota {dimensions = array<i32: 0>} : vector<400x2xi32>
    %iota3A_342 = tpu.iota {dimensions = array<i32: 1>} : vector<400x2xi32>
    %mul3A_343 = arith.constant 200 : i32
    %mul3A_344 = vector.broadcast %mul3A_343 : i32 to vector<400x2xi32>
    %mul3A_345 = arith.muli %mul3A_344, %iota3A_342 : vector<400x2xi32>
    %add3A_346 = vector.broadcast %add3A_340 : i32 to vector<400x2xi32>
    %add3A_347 = arith.addi %add3A_346, %mul3A_345 : vector<400x2xi32>
    %eq3A_348 = arith.cmpi eq, %iota3A_341, %add3A_347 : vector<400x2xi32>
    %convert_element_type3A_349 = arith.extui %eq3A_348 : vector<400x2xi1> to vector<400x2xi32>
    %convert_element_type3A_350 = arith.sitofp %convert_element_type3A_349 : vector<400x2xi32> to vector<400x2xf32>
    %convert_element_type3A_351 = arith.truncf %convert_element_type3A_350 : vector<400x2xf32> to vector<400x2xbf16>
    %get3A_352 = arith.constant 0 : index
    %get3A_353 = arith.constant 0 : index
    %get3A_354 = vector.load %arg3[%get3A_352, %get3A_353] : memref<512x400xbf16, #tpu.memory_space<vmem>>, vector<512x400xbf16>
    %dot_general3A_355 = arith.constant dense<0.000000e+00> : vector<512x2xf32>
    %dot_general3A_356 = tpu.matmul %get3A_354, %convert_element_type3A_351, %dot_general3A_355 {dimension_numbers = #tpu.dot_dimension_numbers<[1], [0], [0], [1], [0, 0, 1, 1], [], []>, transpose_lhs_hint = false} : vector<512x400xbf16>, vector<400x2xbf16>, vector<512x2xf32> -> vector<512x2xf32>
    %slice3A_357 = vector.extract_strided_slice %dot_general3A_356 {offsets = [0, 0], sizes = [512, 1], strides = [1, 1]} : vector<512x2xf32> to vector<512x1xf32>
    %slice3A_358 = vector.extract_strided_slice %dot_general3A_356 {offsets = [0, 1], sizes = [512, 1], strides = [1, 1]} : vector<512x2xf32> to vector<512x1xf32>
    %convert_element_type3A_359 = arith.fptosi %slice3A_358 : vector<512x1xf32> to vector<512x1xi32>
    %iota3A_360 = tpu.iota {dimensions = array<i32: 1>} : vector<512x168xi32>
    %eq3A_361 = vector.broadcast %convert_element_type3A_359 : vector<512x1xi32> to vector<512x168xi32>
    %eq3A_362 = arith.cmpi eq, %eq3A_361, %iota3A_360 : vector<512x168xi32>
    %convert_element_type3A_363 = arith.extui %eq3A_362 : vector<512x168xi1> to vector<512x168xi32>
    %convert_element_type3A_364 = arith.sitofp %convert_element_type3A_363 : vector<512x168xi32> to vector<512x168xf32>
    %convert_element_type3A_365 = arith.truncf %convert_element_type3A_364 : vector<512x168xf32> to vector<512x168xbf16>
    %get3A_366 = arith.constant 0 : index
    %get3A_367 = arith.constant 0 : index
    %get3A_368 = vector.load %arg16[%get3A_366, %get3A_367] : memref<168x512xbf16, #tpu.memory_space<vmem>>, vector<168x512xbf16>
    %dot_general3A_369 = arith.constant dense<0.000000e+00> : vector<512x512xf32>
    %dot_general3A_370 = tpu.matmul %convert_element_type3A_365, %get3A_368, %dot_general3A_369 {dimension_numbers = #tpu.dot_dimension_numbers<[1], [0], [0], [1], [0, 0, 1, 1], [], []>, transpose_lhs_hint = false} : vector<512x168xbf16>, vector<168x512xbf16>, vector<512x512xf32> -> vector<512x512xf32>
    %get3A_371 = arith.constant 0 : index
    %get3A_372 = arith.constant 0 : index
    %get3A_373 = vector.load %arg7[%get3A_371, %get3A_372] : memref<128x512xbf16, #tpu.memory_space<vmem>>, vector<128x512xbf16>
    %dot_general3A_374 = arith.constant dense<0.000000e+00> : vector<512x512xf32>
    %dot_general3A_375 = tpu.matmul %convert_element_type3A_301, %get3A_373, %dot_general3A_374 {dimension_numbers = #tpu.dot_dimension_numbers<[1], [0], [0], [1], [0, 0, 1, 1], [], []>, transpose_lhs_hint = false} : vector<512x128xbf16>, vector<128x512xbf16>, vector<512x512xf32> -> vector<512x512xf32>
    %add3A_376 = arith.addf %dot_general3A_370, %dot_general3A_375 : vector<512x512xf32>
    %get3A_377 = arith.constant 0 : index
    %get3A_378 = arith.constant 0 : index
    %get3A_379 = vector.load %arg8[%get3A_377, %get3A_378] : memref<1x512xf32, #tpu.memory_space<vmem>>, vector<1x512xf32>
    %add3A_380 = vector.broadcast %get3A_379 : vector<1x512xf32> to vector<512x512xf32>
    %add3A_381 = arith.addf %add3A_376, %add3A_380 : vector<512x512xf32>
    %slice3A_382 = vector.extract_strided_slice %add3A_381 {offsets = [0, 0], sizes = [512, 128], strides = [1, 1]} : vector<512x512xf32> to vector<512x128xf32>
    %logistic3A_383 = arith.negf %slice3A_382 : vector<512x128xf32>
    %logistic3A_384 = math.exp %logistic3A_383 : vector<512x128xf32>
    %logistic3A_385 = arith.constant 1.000000e+00 : f32
    %logistic3A_386 = vector.broadcast %logistic3A_385 : f32 to vector<512x128xf32>
    %logistic3A_387 = arith.addf %logistic3A_386, %logistic3A_384 : vector<512x128xf32>
    %logistic3A_388 = arith.divf %logistic3A_386, %logistic3A_387 : vector<512x128xf32>
    %slice3A_389 = vector.extract_strided_slice %add3A_381 {offsets = [0, 128], sizes = [512, 128], strides = [1, 1]} : vector<512x512xf32> to vector<512x128xf32>
    %logistic3A_390 = arith.negf %slice3A_389 : vector<512x128xf32>
    %logistic3A_391 = math.exp %logistic3A_390 : vector<512x128xf32>
    %logistic3A_392 = arith.constant 1.000000e+00 : f32
    %logistic3A_393 = vector.broadcast %logistic3A_392 : f32 to vector<512x128xf32>
    %logistic3A_394 = arith.addf %logistic3A_393, %logistic3A_391 : vector<512x128xf32>
    %logistic3A_395 = arith.divf %logistic3A_393, %logistic3A_394 : vector<512x128xf32>
    %slice3A_396 = vector.extract_strided_slice %add3A_381 {offsets = [0, 256], sizes = [512, 128], strides = [1, 1]} : vector<512x512xf32> to vector<512x128xf32>
    %tanh3A_397 = math.tanh %slice3A_396 : vector<512x128xf32>
    %slice3A_398 = vector.extract_strided_slice %add3A_381 {offsets = [0, 384], sizes = [512, 128], strides = [1, 1]} : vector<512x512xf32> to vector<512x128xf32>
    %logistic3A_399 = arith.negf %slice3A_398 : vector<512x128xf32>
    %logistic3A_400 = math.exp %logistic3A_399 : vector<512x128xf32>
    %logistic3A_401 = arith.constant 1.000000e+00 : f32
    %logistic3A_402 = vector.broadcast %logistic3A_401 : f32 to vector<512x128xf32>
    %logistic3A_403 = arith.addf %logistic3A_402, %logistic3A_400 : vector<512x128xf32>
    %logistic3A_404 = arith.divf %logistic3A_402, %logistic3A_403 : vector<512x128xf32>
    %mul3A_405 = arith.mulf %logistic3A_395, %add3A_298 : vector<512x128xf32>
    %mul3A_406 = arith.mulf %logistic3A_388, %tanh3A_397 : vector<512x128xf32>
    %add3A_407 = arith.addf %mul3A_405, %mul3A_406 : vector<512x128xf32>
    %tanh3A_408 = math.tanh %add3A_407 : vector<512x128xf32>
    %mul3A_409 = arith.mulf %logistic3A_404, %tanh3A_408 : vector<512x128xf32>
    %convert_element_type3A_410 = arith.truncf %mul3A_409 : vector<512x128xf32> to vector<512x128xbf16>
    %get3A_411 = arith.constant 0 : index
    %get3A_412 = arith.constant 0 : index
    %get3A_413 = vector.load %arg9[%get3A_411, %get3A_412] : memref<1x128xf32, #tpu.memory_space<vmem>>, vector<1x128xf32>
    %mul3A_414 = vector.broadcast %get3A_413 : vector<1x128xf32> to vector<512x128xf32>
    %mul3A_415 = arith.mulf %mul3A_409, %mul3A_414 : vector<512x128xf32>
    %reduce_sum3A_416 = arith.constant dense<0.000000e+00> : vector<512xf32>
    %reduce_sum3A_417 = vector.multi_reduction <add>, %mul3A_415, %reduce_sum3A_416 [1] : vector<512x128xf32> to vector<512xf32>
    %broadcast_in_dim3A_418 = vector.shape_cast %reduce_sum3A_417 : vector<512xf32> to vector<512x1xf32>
    %mul3A_419 = vector.broadcast %get3A_3 : f32 to vector<512x1xf32>
    %mul3A_420 = arith.mulf %mul3A_419, %slice3A_357 : vector<512x1xf32>
    %add3A_421 = arith.addf %broadcast_in_dim3A_418, %mul3A_420 : vector<512x1xf32>
    %add3A_422 = vector.broadcast %get3A_6 : f32 to vector<512x1xf32>
    %add3A_423 = arith.addf %add3A_421, %add3A_422 : vector<512x1xf32>
    %add3A_424 = vector.broadcast %get3A_6 : f32 to vector<512x1xf32>
    %add3A_425 = arith.addf %broadcast_in_dim3A_418, %add3A_424 : vector<512x1xf32>
    %exp3A_426 = math.exp %add3A_425 : vector<512x1xf32>
    %add3A_427 = arith.addf %broadcast_in_dim3A_418, %mul3A_420 : vector<512x1xf32>
    %add3A_428 = vector.broadcast %get3A_6 : f32 to vector<512x1xf32>
    %add3A_429 = arith.addf %add3A_427, %add3A_428 : vector<512x1xf32>
    %exp3A_430 = math.exp %add3A_429 : vector<512x1xf32>
    %sub3A_431 = arith.subf %exp3A_426, %exp3A_430 : vector<512x1xf32>
    %div3A_432 = vector.broadcast %get3A_3 : f32 to vector<512x1xf32>
    %div3A_433 = arith.divf %sub3A_431, %div3A_432 : vector<512x1xf32>
    %add3A_434 = arith.addf %add3A_423, %div3A_433 : vector<512x1xf32>
    %lt3A_435 = vector.broadcast %add3A_340 : i32 to vector<512x1xi32>
    %lt3A_436 = arith.cmpi slt, %lt3A_435, %sub3A_11 : vector<512x1xi32>
    %jit3A_437 = arith.constant 0.000000e+00 : f32
    %broadcast_in_dim3A_438 = vector.broadcast %jit3A_437 : f32 to vector<512x1xf32>
    %select_n3A_439 = arith.select %lt3A_436, %add3A_434, %broadcast_in_dim3A_438 : vector<512x1xi1>, vector<512x1xf32>
    %add3A_440 = arith.addf %add3A_331, %select_n3A_439 : vector<512x1xf32>
    %eq3A_441 = vector.broadcast %add3A_340 : i32 to vector<512x1xi32>
    %eq3A_442 = arith.cmpi eq, %sub3A_11, %eq3A_441 : vector<512x1xi32>
    %broadcast_in_dim3A_443 = vector.shape_cast %eq3A_442 : vector<512x1xi1> to vector<512x1xi1>
    %broadcast_in_dim3A_444 = vector.broadcast %broadcast_in_dim3A_443 : vector<512x1xi1> to vector<512x128xi1>
    %select_n3A_445 = arith.select %broadcast_in_dim3A_444, %mul3A_409, %select_n3A_336 : vector<512x128xi1>, vector<512x128xf32>
    %mul3A_446 = arith.constant 10 : i32
    %mul3A_447 = arith.muli %arg0, %mul3A_446 : i32
    %add3A_448 = arith.constant 4 : i32
    %add3A_449 = arith.addi %mul3A_447, %add3A_448 : i32
    %iota3A_450 = tpu.iota {dimensions = array<i32: 0>} : vector<400x2xi32>
    %iota3A_451 = tpu.iota {dimensions = array<i32: 1>} : vector<400x2xi32>
    %mul3A_452 = arith.constant 200 : i32
    %mul3A_453 = vector.broadcast %mul3A_452 : i32 to vector<400x2xi32>
    %mul3A_454 = arith.muli %mul3A_453, %iota3A_451 : vector<400x2xi32>
    %add3A_455 = vector.broadcast %add3A_449 : i32 to vector<400x2xi32>
    %add3A_456 = arith.addi %add3A_455, %mul3A_454 : vector<400x2xi32>
    %eq3A_457 = arith.cmpi eq, %iota3A_450, %add3A_456 : vector<400x2xi32>
    %convert_element_type3A_458 = arith.extui %eq3A_457 : vector<400x2xi1> to vector<400x2xi32>
    %convert_element_type3A_459 = arith.sitofp %convert_element_type3A_458 : vector<400x2xi32> to vector<400x2xf32>
    %convert_element_type3A_460 = arith.truncf %convert_element_type3A_459 : vector<400x2xf32> to vector<400x2xbf16>
    %get3A_461 = arith.constant 0 : index
    %get3A_462 = arith.constant 0 : index
    %get3A_463 = vector.load %arg3[%get3A_461, %get3A_462] : memref<512x400xbf16, #tpu.memory_space<vmem>>, vector<512x400xbf16>
    %dot_general3A_464 = arith.constant dense<0.000000e+00> : vector<512x2xf32>
    %dot_general3A_465 = tpu.matmul %get3A_463, %convert_element_type3A_460, %dot_general3A_464 {dimension_numbers = #tpu.dot_dimension_numbers<[1], [0], [0], [1], [0, 0, 1, 1], [], []>, transpose_lhs_hint = false} : vector<512x400xbf16>, vector<400x2xbf16>, vector<512x2xf32> -> vector<512x2xf32>
    %slice3A_466 = vector.extract_strided_slice %dot_general3A_465 {offsets = [0, 0], sizes = [512, 1], strides = [1, 1]} : vector<512x2xf32> to vector<512x1xf32>
    %slice3A_467 = vector.extract_strided_slice %dot_general3A_465 {offsets = [0, 1], sizes = [512, 1], strides = [1, 1]} : vector<512x2xf32> to vector<512x1xf32>
    %convert_element_type3A_468 = arith.fptosi %slice3A_467 : vector<512x1xf32> to vector<512x1xi32>
    %iota3A_469 = tpu.iota {dimensions = array<i32: 1>} : vector<512x168xi32>
    %eq3A_470 = vector.broadcast %convert_element_type3A_468 : vector<512x1xi32> to vector<512x168xi32>
    %eq3A_471 = arith.cmpi eq, %eq3A_470, %iota3A_469 : vector<512x168xi32>
    %convert_element_type3A_472 = arith.extui %eq3A_471 : vector<512x168xi1> to vector<512x168xi32>
    %convert_element_type3A_473 = arith.sitofp %convert_element_type3A_472 : vector<512x168xi32> to vector<512x168xf32>
    %convert_element_type3A_474 = arith.truncf %convert_element_type3A_473 : vector<512x168xf32> to vector<512x168xbf16>
    %get3A_475 = arith.constant 0 : index
    %get3A_476 = arith.constant 0 : index
    %get3A_477 = vector.load %arg16[%get3A_475, %get3A_476] : memref<168x512xbf16, #tpu.memory_space<vmem>>, vector<168x512xbf16>
    %dot_general3A_478 = arith.constant dense<0.000000e+00> : vector<512x512xf32>
    %dot_general3A_479 = tpu.matmul %convert_element_type3A_474, %get3A_477, %dot_general3A_478 {dimension_numbers = #tpu.dot_dimension_numbers<[1], [0], [0], [1], [0, 0, 1, 1], [], []>, transpose_lhs_hint = false} : vector<512x168xbf16>, vector<168x512xbf16>, vector<512x512xf32> -> vector<512x512xf32>
    %get3A_480 = arith.constant 0 : index
    %get3A_481 = arith.constant 0 : index
    %get3A_482 = vector.load %arg7[%get3A_480, %get3A_481] : memref<128x512xbf16, #tpu.memory_space<vmem>>, vector<128x512xbf16>
    %dot_general3A_483 = arith.constant dense<0.000000e+00> : vector<512x512xf32>
    %dot_general3A_484 = tpu.matmul %convert_element_type3A_410, %get3A_482, %dot_general3A_483 {dimension_numbers = #tpu.dot_dimension_numbers<[1], [0], [0], [1], [0, 0, 1, 1], [], []>, transpose_lhs_hint = false} : vector<512x128xbf16>, vector<128x512xbf16>, vector<512x512xf32> -> vector<512x512xf32>
    %add3A_485 = arith.addf %dot_general3A_479, %dot_general3A_484 : vector<512x512xf32>
    %get3A_486 = arith.constant 0 : index
    %get3A_487 = arith.constant 0 : index
    %get3A_488 = vector.load %arg8[%get3A_486, %get3A_487] : memref<1x512xf32, #tpu.memory_space<vmem>>, vector<1x512xf32>
    %add3A_489 = vector.broadcast %get3A_488 : vector<1x512xf32> to vector<512x512xf32>
    %add3A_490 = arith.addf %add3A_485, %add3A_489 : vector<512x512xf32>
    %slice3A_491 = vector.extract_strided_slice %add3A_490 {offsets = [0, 0], sizes = [512, 128], strides = [1, 1]} : vector<512x512xf32> to vector<512x128xf32>
    %logistic3A_492 = arith.negf %slice3A_491 : vector<512x128xf32>
    %logistic3A_493 = math.exp %logistic3A_492 : vector<512x128xf32>
    %logistic3A_494 = arith.constant 1.000000e+00 : f32
    %logistic3A_495 = vector.broadcast %logistic3A_494 : f32 to vector<512x128xf32>
    %logistic3A_496 = arith.addf %logistic3A_495, %logistic3A_493 : vector<512x128xf32>
    %logistic3A_497 = arith.divf %logistic3A_495, %logistic3A_496 : vector<512x128xf32>
    %slice3A_498 = vector.extract_strided_slice %add3A_490 {offsets = [0, 128], sizes = [512, 128], strides = [1, 1]} : vector<512x512xf32> to vector<512x128xf32>
    %logistic3A_499 = arith.negf %slice3A_498 : vector<512x128xf32>
    %logistic3A_500 = math.exp %logistic3A_499 : vector<512x128xf32>
    %logistic3A_501 = arith.constant 1.000000e+00 : f32
    %logistic3A_502 = vector.broadcast %logistic3A_501 : f32 to vector<512x128xf32>
    %logistic3A_503 = arith.addf %logistic3A_502, %logistic3A_500 : vector<512x128xf32>
    %logistic3A_504 = arith.divf %logistic3A_502, %logistic3A_503 : vector<512x128xf32>
    %slice3A_505 = vector.extract_strided_slice %add3A_490 {offsets = [0, 256], sizes = [512, 128], strides = [1, 1]} : vector<512x512xf32> to vector<512x128xf32>
    %tanh3A_506 = math.tanh %slice3A_505 : vector<512x128xf32>
    %slice3A_507 = vector.extract_strided_slice %add3A_490 {offsets = [0, 384], sizes = [512, 128], strides = [1, 1]} : vector<512x512xf32> to vector<512x128xf32>
    %logistic3A_508 = arith.negf %slice3A_507 : vector<512x128xf32>
    %logistic3A_509 = math.exp %logistic3A_508 : vector<512x128xf32>
    %logistic3A_510 = arith.constant 1.000000e+00 : f32
    %logistic3A_511 = vector.broadcast %logistic3A_510 : f32 to vector<512x128xf32>
    %logistic3A_512 = arith.addf %logistic3A_511, %logistic3A_509 : vector<512x128xf32>
    %logistic3A_513 = arith.divf %logistic3A_511, %logistic3A_512 : vector<512x128xf32>
    %mul3A_514 = arith.mulf %logistic3A_504, %add3A_407 : vector<512x128xf32>
    %mul3A_515 = arith.mulf %logistic3A_497, %tanh3A_506 : vector<512x128xf32>
    %add3A_516 = arith.addf %mul3A_514, %mul3A_515 : vector<512x128xf32>
    %tanh3A_517 = math.tanh %add3A_516 : vector<512x128xf32>
    %mul3A_518 = arith.mulf %logistic3A_513, %tanh3A_517 : vector<512x128xf32>
    %convert_element_type3A_519 = arith.truncf %mul3A_518 : vector<512x128xf32> to vector<512x128xbf16>
    %get3A_520 = arith.constant 0 : index
    %get3A_521 = arith.constant 0 : index
    %get3A_522 = vector.load %arg9[%get3A_520, %get3A_521] : memref<1x128xf32, #tpu.memory_space<vmem>>, vector<1x128xf32>
    %mul3A_523 = vector.broadcast %get3A_522 : vector<1x128xf32> to vector<512x128xf32>
    %mul3A_524 = arith.mulf %mul3A_518, %mul3A_523 : vector<512x128xf32>
    %reduce_sum3A_525 = arith.constant dense<0.000000e+00> : vector<512xf32>
    %reduce_sum3A_526 = vector.multi_reduction <add>, %mul3A_524, %reduce_sum3A_525 [1] : vector<512x128xf32> to vector<512xf32>
    %broadcast_in_dim3A_527 = vector.shape_cast %reduce_sum3A_526 : vector<512xf32> to vector<512x1xf32>
    %mul3A_528 = vector.broadcast %get3A_3 : f32 to vector<512x1xf32>
    %mul3A_529 = arith.mulf %mul3A_528, %slice3A_466 : vector<512x1xf32>
    %add3A_530 = arith.addf %broadcast_in_dim3A_527, %mul3A_529 : vector<512x1xf32>
    %add3A_531 = vector.broadcast %get3A_6 : f32 to vector<512x1xf32>
    %add3A_532 = arith.addf %add3A_530, %add3A_531 : vector<512x1xf32>
    %add3A_533 = vector.broadcast %get3A_6 : f32 to vector<512x1xf32>
    %add3A_534 = arith.addf %broadcast_in_dim3A_527, %add3A_533 : vector<512x1xf32>
    %exp3A_535 = math.exp %add3A_534 : vector<512x1xf32>
    %add3A_536 = arith.addf %broadcast_in_dim3A_527, %mul3A_529 : vector<512x1xf32>
    %add3A_537 = vector.broadcast %get3A_6 : f32 to vector<512x1xf32>
    %add3A_538 = arith.addf %add3A_536, %add3A_537 : vector<512x1xf32>
    %exp3A_539 = math.exp %add3A_538 : vector<512x1xf32>
    %sub3A_540 = arith.subf %exp3A_535, %exp3A_539 : vector<512x1xf32>
    %div3A_541 = vector.broadcast %get3A_3 : f32 to vector<512x1xf32>
    %div3A_542 = arith.divf %sub3A_540, %div3A_541 : vector<512x1xf32>
    %add3A_543 = arith.addf %add3A_532, %div3A_542 : vector<512x1xf32>
    %lt3A_544 = vector.broadcast %add3A_449 : i32 to vector<512x1xi32>
    %lt3A_545 = arith.cmpi slt, %lt3A_544, %sub3A_11 : vector<512x1xi32>
    %jit3A_546 = arith.constant 0.000000e+00 : f32
    %broadcast_in_dim3A_547 = vector.broadcast %jit3A_546 : f32 to vector<512x1xf32>
    %select_n3A_548 = arith.select %lt3A_545, %add3A_543, %broadcast_in_dim3A_547 : vector<512x1xi1>, vector<512x1xf32>
    %add3A_549 = arith.addf %add3A_440, %select_n3A_548 : vector<512x1xf32>
    %eq3A_550 = vector.broadcast %add3A_449 : i32 to vector<512x1xi32>
    %eq3A_551 = arith.cmpi eq, %sub3A_11, %eq3A_550 : vector<512x1xi32>
    %broadcast_in_dim3A_552 = vector.shape_cast %eq3A_551 : vector<512x1xi1> to vector<512x1xi1>
    %broadcast_in_dim3A_553 = vector.broadcast %broadcast_in_dim3A_552 : vector<512x1xi1> to vector<512x128xi1>
    %select_n3A_554 = arith.select %broadcast_in_dim3A_553, %mul3A_518, %select_n3A_445 : vector<512x128xi1>, vector<512x128xf32>
    %mul3A_555 = arith.constant 10 : i32
    %mul3A_556 = arith.muli %arg0, %mul3A_555 : i32
    %add3A_557 = arith.constant 5 : i32
    %add3A_558 = arith.addi %mul3A_556, %add3A_557 : i32
    %iota3A_559 = tpu.iota {dimensions = array<i32: 0>} : vector<400x2xi32>
    %iota3A_560 = tpu.iota {dimensions = array<i32: 1>} : vector<400x2xi32>
    %mul3A_561 = arith.constant 200 : i32
    %mul3A_562 = vector.broadcast %mul3A_561 : i32 to vector<400x2xi32>
    %mul3A_563 = arith.muli %mul3A_562, %iota3A_560 : vector<400x2xi32>
    %add3A_564 = vector.broadcast %add3A_558 : i32 to vector<400x2xi32>
    %add3A_565 = arith.addi %add3A_564, %mul3A_563 : vector<400x2xi32>
    %eq3A_566 = arith.cmpi eq, %iota3A_559, %add3A_565 : vector<400x2xi32>
    %convert_element_type3A_567 = arith.extui %eq3A_566 : vector<400x2xi1> to vector<400x2xi32>
    %convert_element_type3A_568 = arith.sitofp %convert_element_type3A_567 : vector<400x2xi32> to vector<400x2xf32>
    %convert_element_type3A_569 = arith.truncf %convert_element_type3A_568 : vector<400x2xf32> to vector<400x2xbf16>
    %get3A_570 = arith.constant 0 : index
    %get3A_571 = arith.constant 0 : index
    %get3A_572 = vector.load %arg3[%get3A_570, %get3A_571] : memref<512x400xbf16, #tpu.memory_space<vmem>>, vector<512x400xbf16>
    %dot_general3A_573 = arith.constant dense<0.000000e+00> : vector<512x2xf32>
    %dot_general3A_574 = tpu.matmul %get3A_572, %convert_element_type3A_569, %dot_general3A_573 {dimension_numbers = #tpu.dot_dimension_numbers<[1], [0], [0], [1], [0, 0, 1, 1], [], []>, transpose_lhs_hint = false} : vector<512x400xbf16>, vector<400x2xbf16>, vector<512x2xf32> -> vector<512x2xf32>
    %slice3A_575 = vector.extract_strided_slice %dot_general3A_574 {offsets = [0, 0], sizes = [512, 1], strides = [1, 1]} : vector<512x2xf32> to vector<512x1xf32>
    %slice3A_576 = vector.extract_strided_slice %dot_general3A_574 {offsets = [0, 1], sizes = [512, 1], strides = [1, 1]} : vector<512x2xf32> to vector<512x1xf32>
    %convert_element_type3A_577 = arith.fptosi %slice3A_576 : vector<512x1xf32> to vector<512x1xi32>
    %iota3A_578 = tpu.iota {dimensions = array<i32: 1>} : vector<512x168xi32>
    %eq3A_579 = vector.broadcast %convert_element_type3A_577 : vector<512x1xi32> to vector<512x168xi32>
    %eq3A_580 = arith.cmpi eq, %eq3A_579, %iota3A_578 : vector<512x168xi32>
    %convert_element_type3A_581 = arith.extui %eq3A_580 : vector<512x168xi1> to vector<512x168xi32>
    %convert_element_type3A_582 = arith.sitofp %convert_element_type3A_581 : vector<512x168xi32> to vector<512x168xf32>
    %convert_element_type3A_583 = arith.truncf %convert_element_type3A_582 : vector<512x168xf32> to vector<512x168xbf16>
    %get3A_584 = arith.constant 0 : index
    %get3A_585 = arith.constant 0 : index
    %get3A_586 = vector.load %arg16[%get3A_584, %get3A_585] : memref<168x512xbf16, #tpu.memory_space<vmem>>, vector<168x512xbf16>
    %dot_general3A_587 = arith.constant dense<0.000000e+00> : vector<512x512xf32>
    %dot_general3A_588 = tpu.matmul %convert_element_type3A_583, %get3A_586, %dot_general3A_587 {dimension_numbers = #tpu.dot_dimension_numbers<[1], [0], [0], [1], [0, 0, 1, 1], [], []>, transpose_lhs_hint = false} : vector<512x168xbf16>, vector<168x512xbf16>, vector<512x512xf32> -> vector<512x512xf32>
    %get3A_589 = arith.constant 0 : index
    %get3A_590 = arith.constant 0 : index
    %get3A_591 = vector.load %arg7[%get3A_589, %get3A_590] : memref<128x512xbf16, #tpu.memory_space<vmem>>, vector<128x512xbf16>
    %dot_general3A_592 = arith.constant dense<0.000000e+00> : vector<512x512xf32>
    %dot_general3A_593 = tpu.matmul %convert_element_type3A_519, %get3A_591, %dot_general3A_592 {dimension_numbers = #tpu.dot_dimension_numbers<[1], [0], [0], [1], [0, 0, 1, 1], [], []>, transpose_lhs_hint = false} : vector<512x128xbf16>, vector<128x512xbf16>, vector<512x512xf32> -> vector<512x512xf32>
    %add3A_594 = arith.addf %dot_general3A_588, %dot_general3A_593 : vector<512x512xf32>
    %get3A_595 = arith.constant 0 : index
    %get3A_596 = arith.constant 0 : index
    %get3A_597 = vector.load %arg8[%get3A_595, %get3A_596] : memref<1x512xf32, #tpu.memory_space<vmem>>, vector<1x512xf32>
    %add3A_598 = vector.broadcast %get3A_597 : vector<1x512xf32> to vector<512x512xf32>
    %add3A_599 = arith.addf %add3A_594, %add3A_598 : vector<512x512xf32>
    %slice3A_600 = vector.extract_strided_slice %add3A_599 {offsets = [0, 0], sizes = [512, 128], strides = [1, 1]} : vector<512x512xf32> to vector<512x128xf32>
    %logistic3A_601 = arith.negf %slice3A_600 : vector<512x128xf32>
    %logistic3A_602 = math.exp %logistic3A_601 : vector<512x128xf32>
    %logistic3A_603 = arith.constant 1.000000e+00 : f32
    %logistic3A_604 = vector.broadcast %logistic3A_603 : f32 to vector<512x128xf32>
    %logistic3A_605 = arith.addf %logistic3A_604, %logistic3A_602 : vector<512x128xf32>
    %logistic3A_606 = arith.divf %logistic3A_604, %logistic3A_605 : vector<512x128xf32>
    %slice3A_607 = vector.extract_strided_slice %add3A_599 {offsets = [0, 128], sizes = [512, 128], strides = [1, 1]} : vector<512x512xf32> to vector<512x128xf32>
    %logistic3A_608 = arith.negf %slice3A_607 : vector<512x128xf32>
    %logistic3A_609 = math.exp %logistic3A_608 : vector<512x128xf32>
    %logistic3A_610 = arith.constant 1.000000e+00 : f32
    %logistic3A_611 = vector.broadcast %logistic3A_610 : f32 to vector<512x128xf32>
    %logistic3A_612 = arith.addf %logistic3A_611, %logistic3A_609 : vector<512x128xf32>
    %logistic3A_613 = arith.divf %logistic3A_611, %logistic3A_612 : vector<512x128xf32>
    %slice3A_614 = vector.extract_strided_slice %add3A_599 {offsets = [0, 256], sizes = [512, 128], strides = [1, 1]} : vector<512x512xf32> to vector<512x128xf32>
    %tanh3A_615 = math.tanh %slice3A_614 : vector<512x128xf32>
    %slice3A_616 = vector.extract_strided_slice %add3A_599 {offsets = [0, 384], sizes = [512, 128], strides = [1, 1]} : vector<512x512xf32> to vector<512x128xf32>
    %logistic3A_617 = arith.negf %slice3A_616 : vector<512x128xf32>
    %logistic3A_618 = math.exp %logistic3A_617 : vector<512x128xf32>
    %logistic3A_619 = arith.constant 1.000000e+00 : f32
    %logistic3A_620 = vector.broadcast %logistic3A_619 : f32 to vector<512x128xf32>
    %logistic3A_621 = arith.addf %logistic3A_620, %logistic3A_618 : vector<512x128xf32>
    %logistic3A_622 = arith.divf %logistic3A_620, %logistic3A_621 : vector<512x128xf32>
    %mul3A_623 = arith.mulf %logistic3A_613, %add3A_516 : vector<512x128xf32>
    %mul3A_624 = arith.mulf %logistic3A_606, %tanh3A_615 : vector<512x128xf32>
    %add3A_625 = arith.addf %mul3A_623, %mul3A_624 : vector<512x128xf32>
    %tanh3A_626 = math.tanh %add3A_625 : vector<512x128xf32>
    %mul3A_627 = arith.mulf %logistic3A_622, %tanh3A_626 : vector<512x128xf32>
    %convert_element_type3A_628 = arith.truncf %mul3A_627 : vector<512x128xf32> to vector<512x128xbf16>
    %get3A_629 = arith.constant 0 : index
    %get3A_630 = arith.constant 0 : index
    %get3A_631 = vector.load %arg9[%get3A_629, %get3A_630] : memref<1x128xf32, #tpu.memory_space<vmem>>, vector<1x128xf32>
    %mul3A_632 = vector.broadcast %get3A_631 : vector<1x128xf32> to vector<512x128xf32>
    %mul3A_633 = arith.mulf %mul3A_627, %mul3A_632 : vector<512x128xf32>
    %reduce_sum3A_634 = arith.constant dense<0.000000e+00> : vector<512xf32>
    %reduce_sum3A_635 = vector.multi_reduction <add>, %mul3A_633, %reduce_sum3A_634 [1] : vector<512x128xf32> to vector<512xf32>
    %broadcast_in_dim3A_636 = vector.shape_cast %reduce_sum3A_635 : vector<512xf32> to vector<512x1xf32>
    %mul3A_637 = vector.broadcast %get3A_3 : f32 to vector<512x1xf32>
    %mul3A_638 = arith.mulf %mul3A_637, %slice3A_575 : vector<512x1xf32>
    %add3A_639 = arith.addf %broadcast_in_dim3A_636, %mul3A_638 : vector<512x1xf32>
    %add3A_640 = vector.broadcast %get3A_6 : f32 to vector<512x1xf32>
    %add3A_641 = arith.addf %add3A_639, %add3A_640 : vector<512x1xf32>
    %add3A_642 = vector.broadcast %get3A_6 : f32 to vector<512x1xf32>
    %add3A_643 = arith.addf %broadcast_in_dim3A_636, %add3A_642 : vector<512x1xf32>
    %exp3A_644 = math.exp %add3A_643 : vector<512x1xf32>
    %add3A_645 = arith.addf %broadcast_in_dim3A_636, %mul3A_638 : vector<512x1xf32>
    %add3A_646 = vector.broadcast %get3A_6 : f32 to vector<512x1xf32>
    %add3A_647 = arith.addf %add3A_645, %add3A_646 : vector<512x1xf32>
    %exp3A_648 = math.exp %add3A_647 : vector<512x1xf32>
    %sub3A_649 = arith.subf %exp3A_644, %exp3A_648 : vector<512x1xf32>
    %div3A_650 = vector.broadcast %get3A_3 : f32 to vector<512x1xf32>
    %div3A_651 = arith.divf %sub3A_649, %div3A_650 : vector<512x1xf32>
    %add3A_652 = arith.addf %add3A_641, %div3A_651 : vector<512x1xf32>
    %lt3A_653 = vector.broadcast %add3A_558 : i32 to vector<512x1xi32>
    %lt3A_654 = arith.cmpi slt, %lt3A_653, %sub3A_11 : vector<512x1xi32>
    %jit3A_655 = arith.constant 0.000000e+00 : f32
    %broadcast_in_dim3A_656 = vector.broadcast %jit3A_655 : f32 to vector<512x1xf32>
    %select_n3A_657 = arith.select %lt3A_654, %add3A_652, %broadcast_in_dim3A_656 : vector<512x1xi1>, vector<512x1xf32>
    %add3A_658 = arith.addf %add3A_549, %select_n3A_657 : vector<512x1xf32>
    %eq3A_659 = vector.broadcast %add3A_558 : i32 to vector<512x1xi32>
    %eq3A_660 = arith.cmpi eq, %sub3A_11, %eq3A_659 : vector<512x1xi32>
    %broadcast_in_dim3A_661 = vector.shape_cast %eq3A_660 : vector<512x1xi1> to vector<512x1xi1>
    %broadcast_in_dim3A_662 = vector.broadcast %broadcast_in_dim3A_661 : vector<512x1xi1> to vector<512x128xi1>
    %select_n3A_663 = arith.select %broadcast_in_dim3A_662, %mul3A_627, %select_n3A_554 : vector<512x128xi1>, vector<512x128xf32>
    %mul3A_664 = arith.constant 10 : i32
    %mul3A_665 = arith.muli %arg0, %mul3A_664 : i32
    %add3A_666 = arith.constant 6 : i32
    %add3A_667 = arith.addi %mul3A_665, %add3A_666 : i32
    %iota3A_668 = tpu.iota {dimensions = array<i32: 0>} : vector<400x2xi32>
    %iota3A_669 = tpu.iota {dimensions = array<i32: 1>} : vector<400x2xi32>
    %mul3A_670 = arith.constant 200 : i32
    %mul3A_671 = vector.broadcast %mul3A_670 : i32 to vector<400x2xi32>
    %mul3A_672 = arith.muli %mul3A_671, %iota3A_669 : vector<400x2xi32>
    %add3A_673 = vector.broadcast %add3A_667 : i32 to vector<400x2xi32>
    %add3A_674 = arith.addi %add3A_673, %mul3A_672 : vector<400x2xi32>
    %eq3A_675 = arith.cmpi eq, %iota3A_668, %add3A_674 : vector<400x2xi32>
    %convert_element_type3A_676 = arith.extui %eq3A_675 : vector<400x2xi1> to vector<400x2xi32>
    %convert_element_type3A_677 = arith.sitofp %convert_element_type3A_676 : vector<400x2xi32> to vector<400x2xf32>
    %convert_element_type3A_678 = arith.truncf %convert_element_type3A_677 : vector<400x2xf32> to vector<400x2xbf16>
    %get3A_679 = arith.constant 0 : index
    %get3A_680 = arith.constant 0 : index
    %get3A_681 = vector.load %arg3[%get3A_679, %get3A_680] : memref<512x400xbf16, #tpu.memory_space<vmem>>, vector<512x400xbf16>
    %dot_general3A_682 = arith.constant dense<0.000000e+00> : vector<512x2xf32>
    %dot_general3A_683 = tpu.matmul %get3A_681, %convert_element_type3A_678, %dot_general3A_682 {dimension_numbers = #tpu.dot_dimension_numbers<[1], [0], [0], [1], [0, 0, 1, 1], [], []>, transpose_lhs_hint = false} : vector<512x400xbf16>, vector<400x2xbf16>, vector<512x2xf32> -> vector<512x2xf32>
    %slice3A_684 = vector.extract_strided_slice %dot_general3A_683 {offsets = [0, 0], sizes = [512, 1], strides = [1, 1]} : vector<512x2xf32> to vector<512x1xf32>
    %slice3A_685 = vector.extract_strided_slice %dot_general3A_683 {offsets = [0, 1], sizes = [512, 1], strides = [1, 1]} : vector<512x2xf32> to vector<512x1xf32>
    %convert_element_type3A_686 = arith.fptosi %slice3A_685 : vector<512x1xf32> to vector<512x1xi32>
    %iota3A_687 = tpu.iota {dimensions = array<i32: 1>} : vector<512x168xi32>
    %eq3A_688 = vector.broadcast %convert_element_type3A_686 : vector<512x1xi32> to vector<512x168xi32>
    %eq3A_689 = arith.cmpi eq, %eq3A_688, %iota3A_687 : vector<512x168xi32>
    %convert_element_type3A_690 = arith.extui %eq3A_689 : vector<512x168xi1> to vector<512x168xi32>
    %convert_element_type3A_691 = arith.sitofp %convert_element_type3A_690 : vector<512x168xi32> to vector<512x168xf32>
    %convert_element_type3A_692 = arith.truncf %convert_element_type3A_691 : vector<512x168xf32> to vector<512x168xbf16>
    %get3A_693 = arith.constant 0 : index
    %get3A_694 = arith.constant 0 : index
    %get3A_695 = vector.load %arg16[%get3A_693, %get3A_694] : memref<168x512xbf16, #tpu.memory_space<vmem>>, vector<168x512xbf16>
    %dot_general3A_696 = arith.constant dense<0.000000e+00> : vector<512x512xf32>
    %dot_general3A_697 = tpu.matmul %convert_element_type3A_692, %get3A_695, %dot_general3A_696 {dimension_numbers = #tpu.dot_dimension_numbers<[1], [0], [0], [1], [0, 0, 1, 1], [], []>, transpose_lhs_hint = false} : vector<512x168xbf16>, vector<168x512xbf16>, vector<512x512xf32> -> vector<512x512xf32>
    %get3A_698 = arith.constant 0 : index
    %get3A_699 = arith.constant 0 : index
    %get3A_700 = vector.load %arg7[%get3A_698, %get3A_699] : memref<128x512xbf16, #tpu.memory_space<vmem>>, vector<128x512xbf16>
    %dot_general3A_701 = arith.constant dense<0.000000e+00> : vector<512x512xf32>
    %dot_general3A_702 = tpu.matmul %convert_element_type3A_628, %get3A_700, %dot_general3A_701 {dimension_numbers = #tpu.dot_dimension_numbers<[1], [0], [0], [1], [0, 0, 1, 1], [], []>, transpose_lhs_hint = false} : vector<512x128xbf16>, vector<128x512xbf16>, vector<512x512xf32> -> vector<512x512xf32>
    %add3A_703 = arith.addf %dot_general3A_697, %dot_general3A_702 : vector<512x512xf32>
    %get3A_704 = arith.constant 0 : index
    %get3A_705 = arith.constant 0 : index
    %get3A_706 = vector.load %arg8[%get3A_704, %get3A_705] : memref<1x512xf32, #tpu.memory_space<vmem>>, vector<1x512xf32>
    %add3A_707 = vector.broadcast %get3A_706 : vector<1x512xf32> to vector<512x512xf32>
    %add3A_708 = arith.addf %add3A_703, %add3A_707 : vector<512x512xf32>
    %slice3A_709 = vector.extract_strided_slice %add3A_708 {offsets = [0, 0], sizes = [512, 128], strides = [1, 1]} : vector<512x512xf32> to vector<512x128xf32>
    %logistic3A_710 = arith.negf %slice3A_709 : vector<512x128xf32>
    %logistic3A_711 = math.exp %logistic3A_710 : vector<512x128xf32>
    %logistic3A_712 = arith.constant 1.000000e+00 : f32
    %logistic3A_713 = vector.broadcast %logistic3A_712 : f32 to vector<512x128xf32>
    %logistic3A_714 = arith.addf %logistic3A_713, %logistic3A_711 : vector<512x128xf32>
    %logistic3A_715 = arith.divf %logistic3A_713, %logistic3A_714 : vector<512x128xf32>
    %slice3A_716 = vector.extract_strided_slice %add3A_708 {offsets = [0, 128], sizes = [512, 128], strides = [1, 1]} : vector<512x512xf32> to vector<512x128xf32>
    %logistic3A_717 = arith.negf %slice3A_716 : vector<512x128xf32>
    %logistic3A_718 = math.exp %logistic3A_717 : vector<512x128xf32>
    %logistic3A_719 = arith.constant 1.000000e+00 : f32
    %logistic3A_720 = vector.broadcast %logistic3A_719 : f32 to vector<512x128xf32>
    %logistic3A_721 = arith.addf %logistic3A_720, %logistic3A_718 : vector<512x128xf32>
    %logistic3A_722 = arith.divf %logistic3A_720, %logistic3A_721 : vector<512x128xf32>
    %slice3A_723 = vector.extract_strided_slice %add3A_708 {offsets = [0, 256], sizes = [512, 128], strides = [1, 1]} : vector<512x512xf32> to vector<512x128xf32>
    %tanh3A_724 = math.tanh %slice3A_723 : vector<512x128xf32>
    %slice3A_725 = vector.extract_strided_slice %add3A_708 {offsets = [0, 384], sizes = [512, 128], strides = [1, 1]} : vector<512x512xf32> to vector<512x128xf32>
    %logistic3A_726 = arith.negf %slice3A_725 : vector<512x128xf32>
    %logistic3A_727 = math.exp %logistic3A_726 : vector<512x128xf32>
    %logistic3A_728 = arith.constant 1.000000e+00 : f32
    %logistic3A_729 = vector.broadcast %logistic3A_728 : f32 to vector<512x128xf32>
    %logistic3A_730 = arith.addf %logistic3A_729, %logistic3A_727 : vector<512x128xf32>
    %logistic3A_731 = arith.divf %logistic3A_729, %logistic3A_730 : vector<512x128xf32>
    %mul3A_732 = arith.mulf %logistic3A_722, %add3A_625 : vector<512x128xf32>
    %mul3A_733 = arith.mulf %logistic3A_715, %tanh3A_724 : vector<512x128xf32>
    %add3A_734 = arith.addf %mul3A_732, %mul3A_733 : vector<512x128xf32>
    %tanh3A_735 = math.tanh %add3A_734 : vector<512x128xf32>
    %mul3A_736 = arith.mulf %logistic3A_731, %tanh3A_735 : vector<512x128xf32>
    %convert_element_type3A_737 = arith.truncf %mul3A_736 : vector<512x128xf32> to vector<512x128xbf16>
    %get3A_738 = arith.constant 0 : index
    %get3A_739 = arith.constant 0 : index
    %get3A_740 = vector.load %arg9[%get3A_738, %get3A_739] : memref<1x128xf32, #tpu.memory_space<vmem>>, vector<1x128xf32>
    %mul3A_741 = vector.broadcast %get3A_740 : vector<1x128xf32> to vector<512x128xf32>
    %mul3A_742 = arith.mulf %mul3A_736, %mul3A_741 : vector<512x128xf32>
    %reduce_sum3A_743 = arith.constant dense<0.000000e+00> : vector<512xf32>
    %reduce_sum3A_744 = vector.multi_reduction <add>, %mul3A_742, %reduce_sum3A_743 [1] : vector<512x128xf32> to vector<512xf32>
    %broadcast_in_dim3A_745 = vector.shape_cast %reduce_sum3A_744 : vector<512xf32> to vector<512x1xf32>
    %mul3A_746 = vector.broadcast %get3A_3 : f32 to vector<512x1xf32>
    %mul3A_747 = arith.mulf %mul3A_746, %slice3A_684 : vector<512x1xf32>
    %add3A_748 = arith.addf %broadcast_in_dim3A_745, %mul3A_747 : vector<512x1xf32>
    %add3A_749 = vector.broadcast %get3A_6 : f32 to vector<512x1xf32>
    %add3A_750 = arith.addf %add3A_748, %add3A_749 : vector<512x1xf32>
    %add3A_751 = vector.broadcast %get3A_6 : f32 to vector<512x1xf32>
    %add3A_752 = arith.addf %broadcast_in_dim3A_745, %add3A_751 : vector<512x1xf32>
    %exp3A_753 = math.exp %add3A_752 : vector<512x1xf32>
    %add3A_754 = arith.addf %broadcast_in_dim3A_745, %mul3A_747 : vector<512x1xf32>
    %add3A_755 = vector.broadcast %get3A_6 : f32 to vector<512x1xf32>
    %add3A_756 = arith.addf %add3A_754, %add3A_755 : vector<512x1xf32>
    %exp3A_757 = math.exp %add3A_756 : vector<512x1xf32>
    %sub3A_758 = arith.subf %exp3A_753, %exp3A_757 : vector<512x1xf32>
    %div3A_759 = vector.broadcast %get3A_3 : f32 to vector<512x1xf32>
    %div3A_760 = arith.divf %sub3A_758, %div3A_759 : vector<512x1xf32>
    %add3A_761 = arith.addf %add3A_750, %div3A_760 : vector<512x1xf32>
    %lt3A_762 = vector.broadcast %add3A_667 : i32 to vector<512x1xi32>
    %lt3A_763 = arith.cmpi slt, %lt3A_762, %sub3A_11 : vector<512x1xi32>
    %jit3A_764 = arith.constant 0.000000e+00 : f32
    %broadcast_in_dim3A_765 = vector.broadcast %jit3A_764 : f32 to vector<512x1xf32>
    %select_n3A_766 = arith.select %lt3A_763, %add3A_761, %broadcast_in_dim3A_765 : vector<512x1xi1>, vector<512x1xf32>
    %add3A_767 = arith.addf %add3A_658, %select_n3A_766 : vector<512x1xf32>
    %eq3A_768 = vector.broadcast %add3A_667 : i32 to vector<512x1xi32>
    %eq3A_769 = arith.cmpi eq, %sub3A_11, %eq3A_768 : vector<512x1xi32>
    %broadcast_in_dim3A_770 = vector.shape_cast %eq3A_769 : vector<512x1xi1> to vector<512x1xi1>
    %broadcast_in_dim3A_771 = vector.broadcast %broadcast_in_dim3A_770 : vector<512x1xi1> to vector<512x128xi1>
    %select_n3A_772 = arith.select %broadcast_in_dim3A_771, %mul3A_736, %select_n3A_663 : vector<512x128xi1>, vector<512x128xf32>
    %mul3A_773 = arith.constant 10 : i32
    %mul3A_774 = arith.muli %arg0, %mul3A_773 : i32
    %add3A_775 = arith.constant 7 : i32
    %add3A_776 = arith.addi %mul3A_774, %add3A_775 : i32
    %iota3A_777 = tpu.iota {dimensions = array<i32: 0>} : vector<400x2xi32>
    %iota3A_778 = tpu.iota {dimensions = array<i32: 1>} : vector<400x2xi32>
    %mul3A_779 = arith.constant 200 : i32
    %mul3A_780 = vector.broadcast %mul3A_779 : i32 to vector<400x2xi32>
    %mul3A_781 = arith.muli %mul3A_780, %iota3A_778 : vector<400x2xi32>
    %add3A_782 = vector.broadcast %add3A_776 : i32 to vector<400x2xi32>
    %add3A_783 = arith.addi %add3A_782, %mul3A_781 : vector<400x2xi32>
    %eq3A_784 = arith.cmpi eq, %iota3A_777, %add3A_783 : vector<400x2xi32>
    %convert_element_type3A_785 = arith.extui %eq3A_784 : vector<400x2xi1> to vector<400x2xi32>
    %convert_element_type3A_786 = arith.sitofp %convert_element_type3A_785 : vector<400x2xi32> to vector<400x2xf32>
    %convert_element_type3A_787 = arith.truncf %convert_element_type3A_786 : vector<400x2xf32> to vector<400x2xbf16>
    %get3A_788 = arith.constant 0 : index
    %get3A_789 = arith.constant 0 : index
    %get3A_790 = vector.load %arg3[%get3A_788, %get3A_789] : memref<512x400xbf16, #tpu.memory_space<vmem>>, vector<512x400xbf16>
    %dot_general3A_791 = arith.constant dense<0.000000e+00> : vector<512x2xf32>
    %dot_general3A_792 = tpu.matmul %get3A_790, %convert_element_type3A_787, %dot_general3A_791 {dimension_numbers = #tpu.dot_dimension_numbers<[1], [0], [0], [1], [0, 0, 1, 1], [], []>, transpose_lhs_hint = false} : vector<512x400xbf16>, vector<400x2xbf16>, vector<512x2xf32> -> vector<512x2xf32>
    %slice3A_793 = vector.extract_strided_slice %dot_general3A_792 {offsets = [0, 0], sizes = [512, 1], strides = [1, 1]} : vector<512x2xf32> to vector<512x1xf32>
    %slice3A_794 = vector.extract_strided_slice %dot_general3A_792 {offsets = [0, 1], sizes = [512, 1], strides = [1, 1]} : vector<512x2xf32> to vector<512x1xf32>
    %convert_element_type3A_795 = arith.fptosi %slice3A_794 : vector<512x1xf32> to vector<512x1xi32>
    %iota3A_796 = tpu.iota {dimensions = array<i32: 1>} : vector<512x168xi32>
    %eq3A_797 = vector.broadcast %convert_element_type3A_795 : vector<512x1xi32> to vector<512x168xi32>
    %eq3A_798 = arith.cmpi eq, %eq3A_797, %iota3A_796 : vector<512x168xi32>
    %convert_element_type3A_799 = arith.extui %eq3A_798 : vector<512x168xi1> to vector<512x168xi32>
    %convert_element_type3A_800 = arith.sitofp %convert_element_type3A_799 : vector<512x168xi32> to vector<512x168xf32>
    %convert_element_type3A_801 = arith.truncf %convert_element_type3A_800 : vector<512x168xf32> to vector<512x168xbf16>
    %get3A_802 = arith.constant 0 : index
    %get3A_803 = arith.constant 0 : index
    %get3A_804 = vector.load %arg16[%get3A_802, %get3A_803] : memref<168x512xbf16, #tpu.memory_space<vmem>>, vector<168x512xbf16>
    %dot_general3A_805 = arith.constant dense<0.000000e+00> : vector<512x512xf32>
    %dot_general3A_806 = tpu.matmul %convert_element_type3A_801, %get3A_804, %dot_general3A_805 {dimension_numbers = #tpu.dot_dimension_numbers<[1], [0], [0], [1], [0, 0, 1, 1], [], []>, transpose_lhs_hint = false} : vector<512x168xbf16>, vector<168x512xbf16>, vector<512x512xf32> -> vector<512x512xf32>
    %get3A_807 = arith.constant 0 : index
    %get3A_808 = arith.constant 0 : index
    %get3A_809 = vector.load %arg7[%get3A_807, %get3A_808] : memref<128x512xbf16, #tpu.memory_space<vmem>>, vector<128x512xbf16>
    %dot_general3A_810 = arith.constant dense<0.000000e+00> : vector<512x512xf32>
    %dot_general3A_811 = tpu.matmul %convert_element_type3A_737, %get3A_809, %dot_general3A_810 {dimension_numbers = #tpu.dot_dimension_numbers<[1], [0], [0], [1], [0, 0, 1, 1], [], []>, transpose_lhs_hint = false} : vector<512x128xbf16>, vector<128x512xbf16>, vector<512x512xf32> -> vector<512x512xf32>
    %add3A_812 = arith.addf %dot_general3A_806, %dot_general3A_811 : vector<512x512xf32>
    %get3A_813 = arith.constant 0 : index
    %get3A_814 = arith.constant 0 : index
    %get3A_815 = vector.load %arg8[%get3A_813, %get3A_814] : memref<1x512xf32, #tpu.memory_space<vmem>>, vector<1x512xf32>
    %add3A_816 = vector.broadcast %get3A_815 : vector<1x512xf32> to vector<512x512xf32>
    %add3A_817 = arith.addf %add3A_812, %add3A_816 : vector<512x512xf32>
    %slice3A_818 = vector.extract_strided_slice %add3A_817 {offsets = [0, 0], sizes = [512, 128], strides = [1, 1]} : vector<512x512xf32> to vector<512x128xf32>
    %logistic3A_819 = arith.negf %slice3A_818 : vector<512x128xf32>
    %logistic3A_820 = math.exp %logistic3A_819 : vector<512x128xf32>
    %logistic3A_821 = arith.constant 1.000000e+00 : f32
    %logistic3A_822 = vector.broadcast %logistic3A_821 : f32 to vector<512x128xf32>
    %logistic3A_823 = arith.addf %logistic3A_822, %logistic3A_820 : vector<512x128xf32>
    %logistic3A_824 = arith.divf %logistic3A_822, %logistic3A_823 : vector<512x128xf32>
    %slice3A_825 = vector.extract_strided_slice %add3A_817 {offsets = [0, 128], sizes = [512, 128], strides = [1, 1]} : vector<512x512xf32> to vector<512x128xf32>
    %logistic3A_826 = arith.negf %slice3A_825 : vector<512x128xf32>
    %logistic3A_827 = math.exp %logistic3A_826 : vector<512x128xf32>
    %logistic3A_828 = arith.constant 1.000000e+00 : f32
    %logistic3A_829 = vector.broadcast %logistic3A_828 : f32 to vector<512x128xf32>
    %logistic3A_830 = arith.addf %logistic3A_829, %logistic3A_827 : vector<512x128xf32>
    %logistic3A_831 = arith.divf %logistic3A_829, %logistic3A_830 : vector<512x128xf32>
    %slice3A_832 = vector.extract_strided_slice %add3A_817 {offsets = [0, 256], sizes = [512, 128], strides = [1, 1]} : vector<512x512xf32> to vector<512x128xf32>
    %tanh3A_833 = math.tanh %slice3A_832 : vector<512x128xf32>
    %slice3A_834 = vector.extract_strided_slice %add3A_817 {offsets = [0, 384], sizes = [512, 128], strides = [1, 1]} : vector<512x512xf32> to vector<512x128xf32>
    %logistic3A_835 = arith.negf %slice3A_834 : vector<512x128xf32>
    %logistic3A_836 = math.exp %logistic3A_835 : vector<512x128xf32>
    %logistic3A_837 = arith.constant 1.000000e+00 : f32
    %logistic3A_838 = vector.broadcast %logistic3A_837 : f32 to vector<512x128xf32>
    %logistic3A_839 = arith.addf %logistic3A_838, %logistic3A_836 : vector<512x128xf32>
    %logistic3A_840 = arith.divf %logistic3A_838, %logistic3A_839 : vector<512x128xf32>
    %mul3A_841 = arith.mulf %logistic3A_831, %add3A_734 : vector<512x128xf32>
    %mul3A_842 = arith.mulf %logistic3A_824, %tanh3A_833 : vector<512x128xf32>
    %add3A_843 = arith.addf %mul3A_841, %mul3A_842 : vector<512x128xf32>
    %tanh3A_844 = math.tanh %add3A_843 : vector<512x128xf32>
    %mul3A_845 = arith.mulf %logistic3A_840, %tanh3A_844 : vector<512x128xf32>
    %convert_element_type3A_846 = arith.truncf %mul3A_845 : vector<512x128xf32> to vector<512x128xbf16>
    %get3A_847 = arith.constant 0 : index
    %get3A_848 = arith.constant 0 : index
    %get3A_849 = vector.load %arg9[%get3A_847, %get3A_848] : memref<1x128xf32, #tpu.memory_space<vmem>>, vector<1x128xf32>
    %mul3A_850 = vector.broadcast %get3A_849 : vector<1x128xf32> to vector<512x128xf32>
    %mul3A_851 = arith.mulf %mul3A_845, %mul3A_850 : vector<512x128xf32>
    %reduce_sum3A_852 = arith.constant dense<0.000000e+00> : vector<512xf32>
    %reduce_sum3A_853 = vector.multi_reduction <add>, %mul3A_851, %reduce_sum3A_852 [1] : vector<512x128xf32> to vector<512xf32>
    %broadcast_in_dim3A_854 = vector.shape_cast %reduce_sum3A_853 : vector<512xf32> to vector<512x1xf32>
    %mul3A_855 = vector.broadcast %get3A_3 : f32 to vector<512x1xf32>
    %mul3A_856 = arith.mulf %mul3A_855, %slice3A_793 : vector<512x1xf32>
    %add3A_857 = arith.addf %broadcast_in_dim3A_854, %mul3A_856 : vector<512x1xf32>
    %add3A_858 = vector.broadcast %get3A_6 : f32 to vector<512x1xf32>
    %add3A_859 = arith.addf %add3A_857, %add3A_858 : vector<512x1xf32>
    %add3A_860 = vector.broadcast %get3A_6 : f32 to vector<512x1xf32>
    %add3A_861 = arith.addf %broadcast_in_dim3A_854, %add3A_860 : vector<512x1xf32>
    %exp3A_862 = math.exp %add3A_861 : vector<512x1xf32>
    %add3A_863 = arith.addf %broadcast_in_dim3A_854, %mul3A_856 : vector<512x1xf32>
    %add3A_864 = vector.broadcast %get3A_6 : f32 to vector<512x1xf32>
    %add3A_865 = arith.addf %add3A_863, %add3A_864 : vector<512x1xf32>
    %exp3A_866 = math.exp %add3A_865 : vector<512x1xf32>
    %sub3A_867 = arith.subf %exp3A_862, %exp3A_866 : vector<512x1xf32>
    %div3A_868 = vector.broadcast %get3A_3 : f32 to vector<512x1xf32>
    %div3A_869 = arith.divf %sub3A_867, %div3A_868 : vector<512x1xf32>
    %add3A_870 = arith.addf %add3A_859, %div3A_869 : vector<512x1xf32>
    %lt3A_871 = vector.broadcast %add3A_776 : i32 to vector<512x1xi32>
    %lt3A_872 = arith.cmpi slt, %lt3A_871, %sub3A_11 : vector<512x1xi32>
    %jit3A_873 = arith.constant 0.000000e+00 : f32
    %broadcast_in_dim3A_874 = vector.broadcast %jit3A_873 : f32 to vector<512x1xf32>
    %select_n3A_875 = arith.select %lt3A_872, %add3A_870, %broadcast_in_dim3A_874 : vector<512x1xi1>, vector<512x1xf32>
    %add3A_876 = arith.addf %add3A_767, %select_n3A_875 : vector<512x1xf32>
    %eq3A_877 = vector.broadcast %add3A_776 : i32 to vector<512x1xi32>
    %eq3A_878 = arith.cmpi eq, %sub3A_11, %eq3A_877 : vector<512x1xi32>
    %broadcast_in_dim3A_879 = vector.shape_cast %eq3A_878 : vector<512x1xi1> to vector<512x1xi1>
    %broadcast_in_dim3A_880 = vector.broadcast %broadcast_in_dim3A_879 : vector<512x1xi1> to vector<512x128xi1>
    %select_n3A_881 = arith.select %broadcast_in_dim3A_880, %mul3A_845, %select_n3A_772 : vector<512x128xi1>, vector<512x128xf32>
    %mul3A_882 = arith.constant 10 : i32
    %mul3A_883 = arith.muli %arg0, %mul3A_882 : i32
    %add3A_884 = arith.constant 8 : i32
    %add3A_885 = arith.addi %mul3A_883, %add3A_884 : i32
    %iota3A_886 = tpu.iota {dimensions = array<i32: 0>} : vector<400x2xi32>
    %iota3A_887 = tpu.iota {dimensions = array<i32: 1>} : vector<400x2xi32>
    %mul3A_888 = arith.constant 200 : i32
    %mul3A_889 = vector.broadcast %mul3A_888 : i32 to vector<400x2xi32>
    %mul3A_890 = arith.muli %mul3A_889, %iota3A_887 : vector<400x2xi32>
    %add3A_891 = vector.broadcast %add3A_885 : i32 to vector<400x2xi32>
    %add3A_892 = arith.addi %add3A_891, %mul3A_890 : vector<400x2xi32>
    %eq3A_893 = arith.cmpi eq, %iota3A_886, %add3A_892 : vector<400x2xi32>
    %convert_element_type3A_894 = arith.extui %eq3A_893 : vector<400x2xi1> to vector<400x2xi32>
    %convert_element_type3A_895 = arith.sitofp %convert_element_type3A_894 : vector<400x2xi32> to vector<400x2xf32>
    %convert_element_type3A_896 = arith.truncf %convert_element_type3A_895 : vector<400x2xf32> to vector<400x2xbf16>
    %get3A_897 = arith.constant 0 : index
    %get3A_898 = arith.constant 0 : index
    %get3A_899 = vector.load %arg3[%get3A_897, %get3A_898] : memref<512x400xbf16, #tpu.memory_space<vmem>>, vector<512x400xbf16>
    %dot_general3A_900 = arith.constant dense<0.000000e+00> : vector<512x2xf32>
    %dot_general3A_901 = tpu.matmul %get3A_899, %convert_element_type3A_896, %dot_general3A_900 {dimension_numbers = #tpu.dot_dimension_numbers<[1], [0], [0], [1], [0, 0, 1, 1], [], []>, transpose_lhs_hint = false} : vector<512x400xbf16>, vector<400x2xbf16>, vector<512x2xf32> -> vector<512x2xf32>
    %slice3A_902 = vector.extract_strided_slice %dot_general3A_901 {offsets = [0, 0], sizes = [512, 1], strides = [1, 1]} : vector<512x2xf32> to vector<512x1xf32>
    %slice3A_903 = vector.extract_strided_slice %dot_general3A_901 {offsets = [0, 1], sizes = [512, 1], strides = [1, 1]} : vector<512x2xf32> to vector<512x1xf32>
    %convert_element_type3A_904 = arith.fptosi %slice3A_903 : vector<512x1xf32> to vector<512x1xi32>
    %iota3A_905 = tpu.iota {dimensions = array<i32: 1>} : vector<512x168xi32>
    %eq3A_906 = vector.broadcast %convert_element_type3A_904 : vector<512x1xi32> to vector<512x168xi32>
    %eq3A_907 = arith.cmpi eq, %eq3A_906, %iota3A_905 : vector<512x168xi32>
    %convert_element_type3A_908 = arith.extui %eq3A_907 : vector<512x168xi1> to vector<512x168xi32>
    %convert_element_type3A_909 = arith.sitofp %convert_element_type3A_908 : vector<512x168xi32> to vector<512x168xf32>
    %convert_element_type3A_910 = arith.truncf %convert_element_type3A_909 : vector<512x168xf32> to vector<512x168xbf16>
    %get3A_911 = arith.constant 0 : index
    %get3A_912 = arith.constant 0 : index
    %get3A_913 = vector.load %arg16[%get3A_911, %get3A_912] : memref<168x512xbf16, #tpu.memory_space<vmem>>, vector<168x512xbf16>
    %dot_general3A_914 = arith.constant dense<0.000000e+00> : vector<512x512xf32>
    %dot_general3A_915 = tpu.matmul %convert_element_type3A_910, %get3A_913, %dot_general3A_914 {dimension_numbers = #tpu.dot_dimension_numbers<[1], [0], [0], [1], [0, 0, 1, 1], [], []>, transpose_lhs_hint = false} : vector<512x168xbf16>, vector<168x512xbf16>, vector<512x512xf32> -> vector<512x512xf32>
    %get3A_916 = arith.constant 0 : index
    %get3A_917 = arith.constant 0 : index
    %get3A_918 = vector.load %arg7[%get3A_916, %get3A_917] : memref<128x512xbf16, #tpu.memory_space<vmem>>, vector<128x512xbf16>
    %dot_general3A_919 = arith.constant dense<0.000000e+00> : vector<512x512xf32>
    %dot_general3A_920 = tpu.matmul %convert_element_type3A_846, %get3A_918, %dot_general3A_919 {dimension_numbers = #tpu.dot_dimension_numbers<[1], [0], [0], [1], [0, 0, 1, 1], [], []>, transpose_lhs_hint = false} : vector<512x128xbf16>, vector<128x512xbf16>, vector<512x512xf32> -> vector<512x512xf32>
    %add3A_921 = arith.addf %dot_general3A_915, %dot_general3A_920 : vector<512x512xf32>
    %get3A_922 = arith.constant 0 : index
    %get3A_923 = arith.constant 0 : index
    %get3A_924 = vector.load %arg8[%get3A_922, %get3A_923] : memref<1x512xf32, #tpu.memory_space<vmem>>, vector<1x512xf32>
    %add3A_925 = vector.broadcast %get3A_924 : vector<1x512xf32> to vector<512x512xf32>
    %add3A_926 = arith.addf %add3A_921, %add3A_925 : vector<512x512xf32>
    %slice3A_927 = vector.extract_strided_slice %add3A_926 {offsets = [0, 0], sizes = [512, 128], strides = [1, 1]} : vector<512x512xf32> to vector<512x128xf32>
    %logistic3A_928 = arith.negf %slice3A_927 : vector<512x128xf32>
    %logistic3A_929 = math.exp %logistic3A_928 : vector<512x128xf32>
    %logistic3A_930 = arith.constant 1.000000e+00 : f32
    %logistic3A_931 = vector.broadcast %logistic3A_930 : f32 to vector<512x128xf32>
    %logistic3A_932 = arith.addf %logistic3A_931, %logistic3A_929 : vector<512x128xf32>
    %logistic3A_933 = arith.divf %logistic3A_931, %logistic3A_932 : vector<512x128xf32>
    %slice3A_934 = vector.extract_strided_slice %add3A_926 {offsets = [0, 128], sizes = [512, 128], strides = [1, 1]} : vector<512x512xf32> to vector<512x128xf32>
    %logistic3A_935 = arith.negf %slice3A_934 : vector<512x128xf32>
    %logistic3A_936 = math.exp %logistic3A_935 : vector<512x128xf32>
    %logistic3A_937 = arith.constant 1.000000e+00 : f32
    %logistic3A_938 = vector.broadcast %logistic3A_937 : f32 to vector<512x128xf32>
    %logistic3A_939 = arith.addf %logistic3A_938, %logistic3A_936 : vector<512x128xf32>
    %logistic3A_940 = arith.divf %logistic3A_938, %logistic3A_939 : vector<512x128xf32>
    %slice3A_941 = vector.extract_strided_slice %add3A_926 {offsets = [0, 256], sizes = [512, 128], strides = [1, 1]} : vector<512x512xf32> to vector<512x128xf32>
    %tanh3A_942 = math.tanh %slice3A_941 : vector<512x128xf32>
    %slice3A_943 = vector.extract_strided_slice %add3A_926 {offsets = [0, 384], sizes = [512, 128], strides = [1, 1]} : vector<512x512xf32> to vector<512x128xf32>
    %logistic3A_944 = arith.negf %slice3A_943 : vector<512x128xf32>
    %logistic3A_945 = math.exp %logistic3A_944 : vector<512x128xf32>
    %logistic3A_946 = arith.constant 1.000000e+00 : f32
    %logistic3A_947 = vector.broadcast %logistic3A_946 : f32 to vector<512x128xf32>
    %logistic3A_948 = arith.addf %logistic3A_947, %logistic3A_945 : vector<512x128xf32>
    %logistic3A_949 = arith.divf %logistic3A_947, %logistic3A_948 : vector<512x128xf32>
    %mul3A_950 = arith.mulf %logistic3A_940, %add3A_843 : vector<512x128xf32>
    %mul3A_951 = arith.mulf %logistic3A_933, %tanh3A_942 : vector<512x128xf32>
    %add3A_952 = arith.addf %mul3A_950, %mul3A_951 : vector<512x128xf32>
    %tanh3A_953 = math.tanh %add3A_952 : vector<512x128xf32>
    %mul3A_954 = arith.mulf %logistic3A_949, %tanh3A_953 : vector<512x128xf32>
    %convert_element_type3A_955 = arith.truncf %mul3A_954 : vector<512x128xf32> to vector<512x128xbf16>
    %get3A_956 = arith.constant 0 : index
    %get3A_957 = arith.constant 0 : index
    %get3A_958 = vector.load %arg9[%get3A_956, %get3A_957] : memref<1x128xf32, #tpu.memory_space<vmem>>, vector<1x128xf32>
    %mul3A_959 = vector.broadcast %get3A_958 : vector<1x128xf32> to vector<512x128xf32>
    %mul3A_960 = arith.mulf %mul3A_954, %mul3A_959 : vector<512x128xf32>
    %reduce_sum3A_961 = arith.constant dense<0.000000e+00> : vector<512xf32>
    %reduce_sum3A_962 = vector.multi_reduction <add>, %mul3A_960, %reduce_sum3A_961 [1] : vector<512x128xf32> to vector<512xf32>
    %broadcast_in_dim3A_963 = vector.shape_cast %reduce_sum3A_962 : vector<512xf32> to vector<512x1xf32>
    %mul3A_964 = vector.broadcast %get3A_3 : f32 to vector<512x1xf32>
    %mul3A_965 = arith.mulf %mul3A_964, %slice3A_902 : vector<512x1xf32>
    %add3A_966 = arith.addf %broadcast_in_dim3A_963, %mul3A_965 : vector<512x1xf32>
    %add3A_967 = vector.broadcast %get3A_6 : f32 to vector<512x1xf32>
    %add3A_968 = arith.addf %add3A_966, %add3A_967 : vector<512x1xf32>
    %add3A_969 = vector.broadcast %get3A_6 : f32 to vector<512x1xf32>
    %add3A_970 = arith.addf %broadcast_in_dim3A_963, %add3A_969 : vector<512x1xf32>
    %exp3A_971 = math.exp %add3A_970 : vector<512x1xf32>
    %add3A_972 = arith.addf %broadcast_in_dim3A_963, %mul3A_965 : vector<512x1xf32>
    %add3A_973 = vector.broadcast %get3A_6 : f32 to vector<512x1xf32>
    %add3A_974 = arith.addf %add3A_972, %add3A_973 : vector<512x1xf32>
    %exp3A_975 = math.exp %add3A_974 : vector<512x1xf32>
    %sub3A_976 = arith.subf %exp3A_971, %exp3A_975 : vector<512x1xf32>
    %div3A_977 = vector.broadcast %get3A_3 : f32 to vector<512x1xf32>
    %div3A_978 = arith.divf %sub3A_976, %div3A_977 : vector<512x1xf32>
    %add3A_979 = arith.addf %add3A_968, %div3A_978 : vector<512x1xf32>
    %lt3A_980 = vector.broadcast %add3A_885 : i32 to vector<512x1xi32>
    %lt3A_981 = arith.cmpi slt, %lt3A_980, %sub3A_11 : vector<512x1xi32>
    %jit3A_982 = arith.constant 0.000000e+00 : f32
    %broadcast_in_dim3A_983 = vector.broadcast %jit3A_982 : f32 to vector<512x1xf32>
    %select_n3A_984 = arith.select %lt3A_981, %add3A_979, %broadcast_in_dim3A_983 : vector<512x1xi1>, vector<512x1xf32>
    %add3A_985 = arith.addf %add3A_876, %select_n3A_984 : vector<512x1xf32>
    %eq3A_986 = vector.broadcast %add3A_885 : i32 to vector<512x1xi32>
    %eq3A_987 = arith.cmpi eq, %sub3A_11, %eq3A_986 : vector<512x1xi32>
    %broadcast_in_dim3A_988 = vector.shape_cast %eq3A_987 : vector<512x1xi1> to vector<512x1xi1>
    %broadcast_in_dim3A_989 = vector.broadcast %broadcast_in_dim3A_988 : vector<512x1xi1> to vector<512x128xi1>
    %select_n3A_990 = arith.select %broadcast_in_dim3A_989, %mul3A_954, %select_n3A_881 : vector<512x128xi1>, vector<512x128xf32>
    %mul3A_991 = arith.constant 10 : i32
    %mul3A_992 = arith.muli %arg0, %mul3A_991 : i32
    %add3A_993 = arith.constant 9 : i32
    %add3A_994 = arith.addi %mul3A_992, %add3A_993 : i32
    %iota3A_995 = tpu.iota {dimensions = array<i32: 0>} : vector<400x2xi32>
    %iota3A_996 = tpu.iota {dimensions = array<i32: 1>} : vector<400x2xi32>
    %mul3A_997 = arith.constant 200 : i32
    %mul3A_998 = vector.broadcast %mul3A_997 : i32 to vector<400x2xi32>
    %mul3A_999 = arith.muli %mul3A_998, %iota3A_996 : vector<400x2xi32>
    %add3A_1000 = vector.broadcast %add3A_994 : i32 to vector<400x2xi32>
    %add3A_1001 = arith.addi %add3A_1000, %mul3A_999 : vector<400x2xi32>
    %eq3A_1002 = arith.cmpi eq, %iota3A_995, %add3A_1001 : vector<400x2xi32>
    %convert_element_type3A_1003 = arith.extui %eq3A_1002 : vector<400x2xi1> to vector<400x2xi32>
    %convert_element_type3A_1004 = arith.sitofp %convert_element_type3A_1003 : vector<400x2xi32> to vector<400x2xf32>
    %convert_element_type3A_1005 = arith.truncf %convert_element_type3A_1004 : vector<400x2xf32> to vector<400x2xbf16>
    %get3A_1006 = arith.constant 0 : index
    %get3A_1007 = arith.constant 0 : index
    %get3A_1008 = vector.load %arg3[%get3A_1006, %get3A_1007] : memref<512x400xbf16, #tpu.memory_space<vmem>>, vector<512x400xbf16>
    %dot_general3A_1009 = arith.constant dense<0.000000e+00> : vector<512x2xf32>
    %dot_general3A_1010 = tpu.matmul %get3A_1008, %convert_element_type3A_1005, %dot_general3A_1009 {dimension_numbers = #tpu.dot_dimension_numbers<[1], [0], [0], [1], [0, 0, 1, 1], [], []>, transpose_lhs_hint = false} : vector<512x400xbf16>, vector<400x2xbf16>, vector<512x2xf32> -> vector<512x2xf32>
    %slice3A_1011 = vector.extract_strided_slice %dot_general3A_1010 {offsets = [0, 0], sizes = [512, 1], strides = [1, 1]} : vector<512x2xf32> to vector<512x1xf32>
    %slice3A_1012 = vector.extract_strided_slice %dot_general3A_1010 {offsets = [0, 1], sizes = [512, 1], strides = [1, 1]} : vector<512x2xf32> to vector<512x1xf32>
    %convert_element_type3A_1013 = arith.fptosi %slice3A_1012 : vector<512x1xf32> to vector<512x1xi32>
    %iota3A_1014 = tpu.iota {dimensions = array<i32: 1>} : vector<512x168xi32>
    %eq3A_1015 = vector.broadcast %convert_element_type3A_1013 : vector<512x1xi32> to vector<512x168xi32>
    %eq3A_1016 = arith.cmpi eq, %eq3A_1015, %iota3A_1014 : vector<512x168xi32>
    %convert_element_type3A_1017 = arith.extui %eq3A_1016 : vector<512x168xi1> to vector<512x168xi32>
    %convert_element_type3A_1018 = arith.sitofp %convert_element_type3A_1017 : vector<512x168xi32> to vector<512x168xf32>
    %convert_element_type3A_1019 = arith.truncf %convert_element_type3A_1018 : vector<512x168xf32> to vector<512x168xbf16>
    %get3A_1020 = arith.constant 0 : index
    %get3A_1021 = arith.constant 0 : index
    %get3A_1022 = vector.load %arg16[%get3A_1020, %get3A_1021] : memref<168x512xbf16, #tpu.memory_space<vmem>>, vector<168x512xbf16>
    %dot_general3A_1023 = arith.constant dense<0.000000e+00> : vector<512x512xf32>
    %dot_general3A_1024 = tpu.matmul %convert_element_type3A_1019, %get3A_1022, %dot_general3A_1023 {dimension_numbers = #tpu.dot_dimension_numbers<[1], [0], [0], [1], [0, 0, 1, 1], [], []>, transpose_lhs_hint = false} : vector<512x168xbf16>, vector<168x512xbf16>, vector<512x512xf32> -> vector<512x512xf32>
    %get3A_1025 = arith.constant 0 : index
    %get3A_1026 = arith.constant 0 : index
    %get3A_1027 = vector.load %arg7[%get3A_1025, %get3A_1026] : memref<128x512xbf16, #tpu.memory_space<vmem>>, vector<128x512xbf16>
    %dot_general3A_1028 = arith.constant dense<0.000000e+00> : vector<512x512xf32>
    %dot_general3A_1029 = tpu.matmul %convert_element_type3A_955, %get3A_1027, %dot_general3A_1028 {dimension_numbers = #tpu.dot_dimension_numbers<[1], [0], [0], [1], [0, 0, 1, 1], [], []>, transpose_lhs_hint = false} : vector<512x128xbf16>, vector<128x512xbf16>, vector<512x512xf32> -> vector<512x512xf32>
    %add3A_1030 = arith.addf %dot_general3A_1024, %dot_general3A_1029 : vector<512x512xf32>
    %get3A_1031 = arith.constant 0 : index
    %get3A_1032 = arith.constant 0 : index
    %get3A_1033 = vector.load %arg8[%get3A_1031, %get3A_1032] : memref<1x512xf32, #tpu.memory_space<vmem>>, vector<1x512xf32>
    %add3A_1034 = vector.broadcast %get3A_1033 : vector<1x512xf32> to vector<512x512xf32>
    %add3A_1035 = arith.addf %add3A_1030, %add3A_1034 : vector<512x512xf32>
    %slice3A_1036 = vector.extract_strided_slice %add3A_1035 {offsets = [0, 0], sizes = [512, 128], strides = [1, 1]} : vector<512x512xf32> to vector<512x128xf32>
    %logistic3A_1037 = arith.negf %slice3A_1036 : vector<512x128xf32>
    %logistic3A_1038 = math.exp %logistic3A_1037 : vector<512x128xf32>
    %logistic3A_1039 = arith.constant 1.000000e+00 : f32
    %logistic3A_1040 = vector.broadcast %logistic3A_1039 : f32 to vector<512x128xf32>
    %logistic3A_1041 = arith.addf %logistic3A_1040, %logistic3A_1038 : vector<512x128xf32>
    %logistic3A_1042 = arith.divf %logistic3A_1040, %logistic3A_1041 : vector<512x128xf32>
    %slice3A_1043 = vector.extract_strided_slice %add3A_1035 {offsets = [0, 128], sizes = [512, 128], strides = [1, 1]} : vector<512x512xf32> to vector<512x128xf32>
    %logistic3A_1044 = arith.negf %slice3A_1043 : vector<512x128xf32>
    %logistic3A_1045 = math.exp %logistic3A_1044 : vector<512x128xf32>
    %logistic3A_1046 = arith.constant 1.000000e+00 : f32
    %logistic3A_1047 = vector.broadcast %logistic3A_1046 : f32 to vector<512x128xf32>
    %logistic3A_1048 = arith.addf %logistic3A_1047, %logistic3A_1045 : vector<512x128xf32>
    %logistic3A_1049 = arith.divf %logistic3A_1047, %logistic3A_1048 : vector<512x128xf32>
    %slice3A_1050 = vector.extract_strided_slice %add3A_1035 {offsets = [0, 256], sizes = [512, 128], strides = [1, 1]} : vector<512x512xf32> to vector<512x128xf32>
    %tanh3A_1051 = math.tanh %slice3A_1050 : vector<512x128xf32>
    %slice3A_1052 = vector.extract_strided_slice %add3A_1035 {offsets = [0, 384], sizes = [512, 128], strides = [1, 1]} : vector<512x512xf32> to vector<512x128xf32>
    %logistic3A_1053 = arith.negf %slice3A_1052 : vector<512x128xf32>
    %logistic3A_1054 = math.exp %logistic3A_1053 : vector<512x128xf32>
    %logistic3A_1055 = arith.constant 1.000000e+00 : f32
    %logistic3A_1056 = vector.broadcast %logistic3A_1055 : f32 to vector<512x128xf32>
    %logistic3A_1057 = arith.addf %logistic3A_1056, %logistic3A_1054 : vector<512x128xf32>
    %logistic3A_1058 = arith.divf %logistic3A_1056, %logistic3A_1057 : vector<512x128xf32>
    %mul3A_1059 = arith.mulf %logistic3A_1049, %add3A_952 : vector<512x128xf32>
    %mul3A_1060 = arith.mulf %logistic3A_1042, %tanh3A_1051 : vector<512x128xf32>
    %add3A_1061 = arith.addf %mul3A_1059, %mul3A_1060 : vector<512x128xf32>
    %tanh3A_1062 = math.tanh %add3A_1061 : vector<512x128xf32>
    %mul3A_1063 = arith.mulf %logistic3A_1058, %tanh3A_1062 : vector<512x128xf32>
    %convert_element_type3A_1064 = arith.truncf %mul3A_1063 : vector<512x128xf32> to vector<512x128xbf16>
    %get3A_1065 = arith.constant 0 : index
    %get3A_1066 = arith.constant 0 : index
    %get3A_1067 = vector.load %arg9[%get3A_1065, %get3A_1066] : memref<1x128xf32, #tpu.memory_space<vmem>>, vector<1x128xf32>
    %mul3A_1068 = vector.broadcast %get3A_1067 : vector<1x128xf32> to vector<512x128xf32>
    %mul3A_1069 = arith.mulf %mul3A_1063, %mul3A_1068 : vector<512x128xf32>
    %reduce_sum3A_1070 = arith.constant dense<0.000000e+00> : vector<512xf32>
    %reduce_sum3A_1071 = vector.multi_reduction <add>, %mul3A_1069, %reduce_sum3A_1070 [1] : vector<512x128xf32> to vector<512xf32>
    %broadcast_in_dim3A_1072 = vector.shape_cast %reduce_sum3A_1071 : vector<512xf32> to vector<512x1xf32>
    %mul3A_1073 = vector.broadcast %get3A_3 : f32 to vector<512x1xf32>
    %mul3A_1074 = arith.mulf %mul3A_1073, %slice3A_1011 : vector<512x1xf32>
    %add3A_1075 = arith.addf %broadcast_in_dim3A_1072, %mul3A_1074 : vector<512x1xf32>
    %add3A_1076 = vector.broadcast %get3A_6 : f32 to vector<512x1xf32>
    %add3A_1077 = arith.addf %add3A_1075, %add3A_1076 : vector<512x1xf32>
    %add3A_1078 = vector.broadcast %get3A_6 : f32 to vector<512x1xf32>
    %add3A_1079 = arith.addf %broadcast_in_dim3A_1072, %add3A_1078 : vector<512x1xf32>
    %exp3A_1080 = math.exp %add3A_1079 : vector<512x1xf32>
    %add3A_1081 = arith.addf %broadcast_in_dim3A_1072, %mul3A_1074 : vector<512x1xf32>
    %add3A_1082 = vector.broadcast %get3A_6 : f32 to vector<512x1xf32>
    %add3A_1083 = arith.addf %add3A_1081, %add3A_1082 : vector<512x1xf32>
    %exp3A_1084 = math.exp %add3A_1083 : vector<512x1xf32>
    %sub3A_1085 = arith.subf %exp3A_1080, %exp3A_1084 : vector<512x1xf32>
    %div3A_1086 = vector.broadcast %get3A_3 : f32 to vector<512x1xf32>
    %div3A_1087 = arith.divf %sub3A_1085, %div3A_1086 : vector<512x1xf32>
    %add3A_1088 = arith.addf %add3A_1077, %div3A_1087 : vector<512x1xf32>
    %lt3A_1089 = vector.broadcast %add3A_994 : i32 to vector<512x1xi32>
    %lt3A_1090 = arith.cmpi slt, %lt3A_1089, %sub3A_11 : vector<512x1xi32>
    %jit3A_1091 = arith.constant 0.000000e+00 : f32
    %broadcast_in_dim3A_1092 = vector.broadcast %jit3A_1091 : f32 to vector<512x1xf32>
    %select_n3A_1093 = arith.select %lt3A_1090, %add3A_1088, %broadcast_in_dim3A_1092 : vector<512x1xi1>, vector<512x1xf32>
    %add3A_1094 = arith.addf %add3A_985, %select_n3A_1093 : vector<512x1xf32>
    %eq3A_1095 = vector.broadcast %add3A_994 : i32 to vector<512x1xi32>
    %eq3A_1096 = arith.cmpi eq, %sub3A_11, %eq3A_1095 : vector<512x1xi32>
    %broadcast_in_dim3A_1097 = vector.shape_cast %eq3A_1096 : vector<512x1xi1> to vector<512x1xi1>
    %broadcast_in_dim3A_1098 = vector.broadcast %broadcast_in_dim3A_1097 : vector<512x1xi1> to vector<512x128xi1>
    %select_n3A_1099 = arith.select %broadcast_in_dim3A_1098, %mul3A_1063, %select_n3A_990 : vector<512x128xi1>, vector<512x128xf32>
    %swap3A = arith.constant 0 : index
    %swap3A_1100 = arith.constant 0 : index
    %swap3A_1101 = vector.load %arg12[%swap3A, %swap3A_1100] : memref<512x128xbf16, #tpu.memory_space<vmem>>, vector<512x128xbf16>
    tpu.vector_store %arg12[%swap3A, %swap3A_1100], %convert_element_type3A_1064 {strides = array<i32>} : memref<512x128xbf16, #tpu.memory_space<vmem>>, vector<512x128xbf16>,
    %swap3A_1102 = arith.constant 0 : index
    %swap3A_1103 = arith.constant 0 : index
    %swap3A_1104 = vector.load %arg13[%swap3A_1102, %swap3A_1103] : memref<512x128xf32, #tpu.memory_space<vmem>>, vector<512x128xf32>
    tpu.vector_store %arg13[%swap3A_1102, %swap3A_1103], %add3A_1061 {strides = array<i32>} : memref<512x128xf32, #tpu.memory_space<vmem>>, vector<512x128xf32>,
    %swap3A_1105 = arith.constant 0 : index
    %swap3A_1106 = arith.constant 0 : index
    %swap3A_1107 = vector.load %arg14[%swap3A_1105, %swap3A_1106] : memref<512x128xf32, #tpu.memory_space<vmem>>, vector<512x128xf32>
    tpu.vector_store %arg14[%swap3A_1105, %swap3A_1106], %select_n3A_1099 {strides = array<i32>} : memref<512x128xf32, #tpu.memory_space<vmem>>, vector<512x128xf32>,
    %swap3A_1108 = arith.constant 0 : index
    %swap3A_1109 = arith.constant 0 : index
    %swap3A_1110 = vector.load %arg15[%swap3A_1108, %swap3A_1109] : memref<512x1xf32, #tpu.memory_space<vmem>>, vector<512x1xf32>
    tpu.vector_store %arg15[%swap3A_1108, %swap3A_1109], %add3A_1094 {strides = array<i32>} : memref<512x1xf32, #tpu.memory_space<vmem>>, vector<512x1xf32>,
    %eq3A_1111 = arith.constant 19 : i32
    %eq3A_1112 = arith.cmpi eq, %arg0, %eq3A_1111 : i32
    %convert_element_type3A_1113 = arith.extui %eq3A_1112 : i1 to i32
    %cond3A_1114 = arith.constant 0 : i32
    %cond3A_1115 = arith.cmpi ne, %convert_element_type3A_1113, %cond3A_1114 : i32
    scf.if %cond3A_1115 {
      %swap3A_1116 = arith.constant 0 : index
      %swap3A_1117 = arith.constant 0 : index
      %swap3A_1118 = vector.load %arg10[%swap3A_1116, %swap3A_1117] : memref<512x128xf32, #tpu.memory_space<vmem>>, vector<512x128xf32>
      tpu.vector_store %arg10[%swap3A_1116, %swap3A_1117], %select_n3A_1099 {strides = array<i32>} : memref<512x128xf32, #tpu.memory_space<vmem>>, vector<512x128xf32>,
      %swap3A_1119 = arith.constant 0 : index
      %swap3A_1120 = arith.constant 0 : index
      %swap3A_1121 = vector.load %arg11[%swap3A_1119, %swap3A_1120] : memref<512x1xf32, #tpu.memory_space<vmem>>, vector<512x1xf32>
      tpu.vector_store %arg11[%swap3A_1119, %swap3A_1120], %add3A_1094 {strides = array<i32>} : memref<512x1xf32, #tpu.memory_space<vmem>>, vector<512x1xf32>,
    } else {
    }
    return
  }
  func.func @transform_0(%arg0: i32) -> (i32, i32) {
    %c0_i32 = arith.constant 0 : i32
    %c0_i32_0 = arith.constant 0 : i32
    %c0_i32_1 = arith.constant 0 : i32
    return %c0_i32, %c0_i32_0 : i32, i32
  }
  func.func @transform_1(%arg0: i32) -> (i32, i32) {
    %c0_i32 = arith.constant 0 : i32
    %c0_i32_0 = arith.constant 0 : i32
    %c0_i32_1 = arith.constant 0 : i32
    return %c0_i32, %c0_i32_0 : i32, i32
  }
  func.func @transform_2(%arg0: i32) -> (i32, i32) {
    %c0_i32 = arith.constant 0 : i32
    %c0_i32_0 = arith.constant 0 : i32
    %c0_i32_1 = arith.constant 0 : i32
    return %c0_i32, %c0_i32_0 : i32, i32
  }
  func.func @transform_3(%arg0: i32) -> (i32, i32) {
    %c0_i32 = arith.constant 0 : i32
    %c0_i32_0 = arith.constant 0 : i32
    %c0_i32_1 = arith.constant 0 : i32
    return %c0_i32, %c0_i32_0 : i32, i32
  }
  func.func @transform_4(%arg0: i32) -> (i32, i32) {
    %c0_i32 = arith.constant 0 : i32
    %c0_i32_0 = arith.constant 0 : i32
    %c0_i32_1 = arith.constant 0 : i32
    return %c0_i32, %c0_i32_0 : i32, i32
  }
  func.func @transform_5(%arg0: i32) -> (i32, i32) {
    %c0_i32 = arith.constant 0 : i32
    %c0_i32_0 = arith.constant 0 : i32
    %c0_i32_1 = arith.constant 0 : i32
    return %c0_i32, %c0_i32_0 : i32, i32
  }
  func.func @transform_6(%arg0: i32) -> (i32, i32) {
    %c0_i32 = arith.constant 0 : i32
    %c0_i32_0 = arith.constant 0 : i32
    %c0_i32_1 = arith.constant 0 : i32
    return %c0_i32, %c0_i32_0 : i32, i32
  }
  func.func @transform_7(%arg0: i32) -> (i32, i32) {
    %c0_i32 = arith.constant 0 : i32
    %c0_i32_0 = arith.constant 0 : i32
    %c0_i32_1 = arith.constant 0 : i32
    return %c0_i32, %c0_i32_0 : i32, i32
  }
  func.func @transform_8(%arg0: i32) -> (i32, i32) {
    %c0_i32 = arith.constant 0 : i32
    %c0_i32_0 = arith.constant 0 : i32
    %c0_i32_1 = arith.constant 0 : i32
    return %c0_i32, %c0_i32_0 : i32, i32
  }
  func.func @transform_9(%arg0: i32) -> (i32, i32) {
    %c0_i32 = arith.constant 0 : i32
    %c0_i32_0 = arith.constant 0 : i32
    %c0_i32_1 = arith.constant 0 : i32
    return %c0_i32, %c0_i32_0 : i32, i32
  }
  func.func @transform_10(%arg0: i32) -> (i32, i32) {
    %c0_i32 = arith.constant 0 : i32
    %c0_i32_0 = arith.constant 0 : i32
    %c0_i32_1 = arith.constant 0 : i32
    return %c0_i32, %c0_i32_0 : i32, i32
  }
}

module attributes {stable_mosaic.version = 14 : i64} {
  func.func @body(%arg0: memref<256x200xf32, #tpu.memory_space<vmem>>, %arg1: memref<256x200xf32, #tpu.memory_space<vmem>>, %arg2: memref<512x128xf32, #tpu.memory_space<vmem>>, %arg3: memref<256x128xf32, #tpu.memory_space<vmem>>, %arg4: memref<512x1xf32, #tpu.memory_space<vmem>>, %arg5: memref<512x1xi32, #tpu.memory_space<vmem>>, %arg6: memref<200x2xf32, #tpu.memory_space<vmem>>, %arg7: memref<200x2xf32, #tpu.memory_space<vmem>>, %arg8: memref<128x2xf32, #tpu.memory_space<vmem>>, %arg9: memref<64x2xf32, #tpu.memory_space<vmem>>, %arg10: memref<1x2xf32, #tpu.memory_space<vmem>>, %arg11: memref<256x2xf32, #tpu.memory_space<vmem>>, %arg12: memref<1x1xf32, #tpu.memory_space<vmem>>) attributes {dimension_semantics = [], scalar_prefetch = 0 : i64, scratch_operands = 0 : i64, tpu.core_type = #tpu.core_type<tc>} {
    %get3A = arith.constant 0 : index
    %get3A_0 = arith.constant 0 : index
    %get3A_1 = vector.load %arg2[%get3A, %get3A_0] : memref<512x128xf32, #tpu.memory_space<vmem>>, vector<256x128xf32>
    %get3A_2 = arith.constant 256 : index
    %get3A_3 = arith.constant 0 : index
    %get3A_4 = vector.load %arg2[%get3A_2, %get3A_3] : memref<512x128xf32, #tpu.memory_space<vmem>>, vector<256x128xf32>
    %mul3A = arith.mulf %get3A_1, %get3A_4 : vector<256x128xf32>
    %tanh3A = math.tanh %mul3A : vector<256x128xf32>
    %get3A_5 = arith.constant 0 : index
    %get3A_6 = arith.constant 0 : index
    %get3A_7 = vector.load %arg3[%get3A_5, %get3A_6] : memref<256x128xf32, #tpu.memory_space<vmem>>, vector<256x64xf32>
    %get3A_8 = arith.constant 0 : index
    %get3A_9 = arith.constant 64 : index
    %get3A_10 = vector.load %arg3[%get3A_8, %get3A_9] : memref<256x128xf32, #tpu.memory_space<vmem>>, vector<256x64xf32>
    %mul3A_11 = arith.mulf %get3A_7, %get3A_10 : vector<256x64xf32>
    %tanh3A_12 = math.tanh %mul3A_11 : vector<256x64xf32>
    %get3A_13 = arith.constant 0 : index
    %get3A_14 = arith.constant 0 : index
    %get3A_15 = vector.load %arg0[%get3A_13, %get3A_14] : memref<256x200xf32, #tpu.memory_space<vmem>>, vector<256x200xf32>
    %get3A_16 = arith.constant 0 : index
    %get3A_17 = arith.constant 0 : index
    %get3A_18 = vector.load %arg6[%get3A_16, %get3A_17] : memref<200x2xf32, #tpu.memory_space<vmem>>, vector<200x2xf32>
    %dot_general3A = arith.constant dense<0.000000e+00> : vector<256x2xf32>
    %dot_general3A_19 = tpu.matmul %get3A_15, %get3A_18, %dot_general3A {dimension_numbers = #tpu.dot_dimension_numbers<[1], [0], [0], [1], [0, 0, 1, 1], [], []>, transpose_lhs_hint = false} : vector<256x200xf32>, vector<200x2xf32>, vector<256x2xf32> -> vector<256x2xf32>
    %get3A_20 = arith.constant 0 : index
    %get3A_21 = arith.constant 0 : index
    %get3A_22 = vector.load %arg1[%get3A_20, %get3A_21] : memref<256x200xf32, #tpu.memory_space<vmem>>, vector<256x200xf32>
    %get3A_23 = arith.constant 0 : index
    %get3A_24 = arith.constant 0 : index
    %get3A_25 = vector.load %arg7[%get3A_23, %get3A_24] : memref<200x2xf32, #tpu.memory_space<vmem>>, vector<200x2xf32>
    %dot_general3A_26 = arith.constant dense<0.000000e+00> : vector<256x2xf32>
    %dot_general3A_27 = tpu.matmul %get3A_22, %get3A_25, %dot_general3A_26 {dimension_numbers = #tpu.dot_dimension_numbers<[1], [0], [0], [1], [0, 0, 1, 1], [], []>, transpose_lhs_hint = false} : vector<256x200xf32>, vector<200x2xf32>, vector<256x2xf32> -> vector<256x2xf32>
    %add3A = arith.addf %dot_general3A_19, %dot_general3A_27 : vector<256x2xf32>
    %get3A_28 = arith.constant 0 : index
    %get3A_29 = arith.constant 0 : index
    %get3A_30 = vector.load %arg8[%get3A_28, %get3A_29] : memref<128x2xf32, #tpu.memory_space<vmem>>, vector<128x2xf32>
    %dot_general3A_31 = arith.constant dense<0.000000e+00> : vector<256x2xf32>
    %dot_general3A_32 = tpu.matmul %tanh3A, %get3A_30, %dot_general3A_31 {dimension_numbers = #tpu.dot_dimension_numbers<[1], [0], [0], [1], [0, 0, 1, 1], [], []>, transpose_lhs_hint = false} : vector<256x128xf32>, vector<128x2xf32>, vector<256x2xf32> -> vector<256x2xf32>
    %add3A_33 = arith.addf %add3A, %dot_general3A_32 : vector<256x2xf32>
    %get3A_34 = arith.constant 0 : index
    %get3A_35 = arith.constant 0 : index
    %get3A_36 = vector.load %arg9[%get3A_34, %get3A_35] : memref<64x2xf32, #tpu.memory_space<vmem>>, vector<64x2xf32>
    %dot_general3A_37 = arith.constant dense<0.000000e+00> : vector<256x2xf32>
    %dot_general3A_38 = tpu.matmul %tanh3A_12, %get3A_36, %dot_general3A_37 {dimension_numbers = #tpu.dot_dimension_numbers<[1], [0], [0], [1], [0, 0, 1, 1], [], []>, transpose_lhs_hint = false} : vector<256x64xf32>, vector<64x2xf32>, vector<256x2xf32> -> vector<256x2xf32>
    %add3A_39 = arith.addf %add3A_33, %dot_general3A_38 : vector<256x2xf32>
    %get3A_40 = arith.constant 0 : index
    %get3A_41 = arith.constant 0 : index
    %get3A_42 = vector.load %arg10[%get3A_40, %get3A_41] : memref<1x2xf32, #tpu.memory_space<vmem>>, vector<1x2xf32>
    %add3A_43 = vector.broadcast %get3A_42 : vector<1x2xf32> to vector<256x2xf32>
    %add3A_44 = arith.addf %add3A_39, %add3A_43 : vector<256x2xf32>
    %swap3A = arith.constant 0 : index
    %swap3A_45 = arith.constant 0 : index
    %swap3A_46 = vector.load %arg11[%swap3A, %swap3A_45] : memref<256x2xf32, #tpu.memory_space<vmem>>, vector<256x2xf32>
    tpu.vector_store %arg11[%swap3A, %swap3A_45], %add3A_44 {strides = array<i32>} : memref<256x2xf32, #tpu.memory_space<vmem>>, vector<256x2xf32>,
    %get3A_47 = arith.constant 0 : index
    %get3A_48 = arith.constant 0 : index
    %get3A_49 = vector.load %arg4[%get3A_47, %get3A_48] : memref<512x1xf32, #tpu.memory_space<vmem>>, vector<512x1xf32>
    %get3A_50 = arith.constant 0 : index
    %get3A_51 = arith.constant 0 : index
    %get3A_52 = vector.load %arg5[%get3A_50, %get3A_51] : memref<512x1xi32, #tpu.memory_space<vmem>>, vector<512x1xi32>
    %sub3A = arith.constant 1 : i32
    %sub3A_53 = vector.broadcast %sub3A : i32 to vector<512x1xi32>
    %sub3A_54 = arith.subi %get3A_52, %sub3A_53 : vector<512x1xi32>
    %convert_element_type3A = arith.sitofp %sub3A_54 : vector<512x1xi32> to vector<512x1xf32>
    %div3A = arith.divf %get3A_49, %convert_element_type3A : vector<512x1xf32>
    %reduce_sum3A = vector.shape_cast %div3A : vector<512x1xf32> to vector<1x512x1xf32>
    %reduce_sum3A_55 = arith.constant dense<0.000000e+00> : vector<1xf32>
    %reduce_sum3A_56 = vector.multi_reduction <add>, %reduce_sum3A, %reduce_sum3A_55 [1, 2] : vector<1x512x1xf32> to vector<1xf32>
    %reduce_sum3A_57 = vector.shape_cast %reduce_sum3A_56 : vector<1xf32> to vector<1x1x1xf32>
    %reduce_sum3A_58 = vector.extract %reduce_sum3A_57[0, 0, 0] : f32 from vector<1x1x1xf32>
    %neg3A = arith.constant 0.000000e+00 : f32
    %neg3A_59 = arith.subf %neg3A, %reduce_sum3A_58 : f32
    %div3A_60 = arith.constant 2.560000e+02 : f32
    %div3A_61 = arith.divf %neg3A_59, %div3A_60 : f32
    %reshape3A = vector.broadcast %div3A_61 : f32 to vector<1x1xf32>
    %swap3A_62 = arith.constant 0 : index
    %swap3A_63 = arith.constant 0 : index
    %swap3A_64 = vector.load %arg12[%swap3A_62, %swap3A_63] : memref<1x1xf32, #tpu.memory_space<vmem>>, vector<1x1xf32>
    tpu.vector_store %arg12[%swap3A_62, %swap3A_63], %reshape3A {strides = array<i32>} : memref<1x1xf32, #tpu.memory_space<vmem>>, vector<1x1xf32>,
    return
  }
}

</mosaic_0001>

<sc_bundles>
// kernel: kernel.6.cloned.1.call-start
scs
__scs_entry_jumppad:
0x0: {  	(pc) =	sbr.rel $0x88, $3  }
0x1: {  	(tag) =	ssettag $0x0;
	lr =	simm.s32 $0x1  }
0x2: {  	[smem:$0x3F8B] =	sst lr;
	_ =	strace $0xD0000000  }
0x3: {  	_ = 	snop  }
0x4: {  	_ = 	snop  }
0x5: {  	_ = 	snop  }
0x6: {  	_ = 	snop  }
0x7: {  	_ = 	snop  }
__scs_overlays_trampoline_lowered:
0x8: {  	[smem:$0x3F9A] =	sst s0  }
0x9: {  	[smem:$0x3F9B] =	sst s1  }
0xa: {  	[smem:$0x3F9C] =	sst s2  }
0xb: {  	[smem:$0x3F9D] =	sst s3  }
0xc: {  	[smem:$0x3F9E] =	sst s4  }
0xd: {  	[smem:$0x3F9F] =	sst s5  }
0xe: {  	[smem:$0x3FA0] =	sst s6  }
0xf: {  	[smem:$0x3FA1] =	sst s7  }
0x10: {  	[smem:$0x3FA2] =	sst s8  }
0x11: {  	[smem:$0x3FA3] =	sst s9;
	s0 =	simm.s32 @!p0 $0x0  }
0x12: {  	s1 =	sld [smem:$0x3F89];
	s0 =	simm.s32 @p0 $0x1  }
0x13: {  	[smem:$0x3FA4] =	sst s0;
	s0 =	simm.s32 @!p1 $0x0  }
0x14: {  	s2 =	sld [smem:$0x3F88];
	s0 =	simm.s32 @p1 $0x1  }
0x15: {  	[smem:$0x3FA5] =	sst s0;
	s0 =	simm.s32 @!p2 $0x0  }
0x16: {  	s3 =	sld [smem:$0x3FDB];
	s0 =	simm.s32 @p2 $0x1  }
0x17: {  	s4 =	simm.s32 $0x1BF5;
	[smem:$0x3FA7] =	sst s0  }
0x18: {  	s0 =	sld [smem:$0x3F8A];
	_ =	swait.ge [sflag:s4], $0x0  }
0x19: {  	s7 =	sld [smem:$0x3F8B]  }
0x1a: {  	s8 =	sadd.s32 $0xFFFFE003, lr  }
0x1b: {  	s9 =	sadd.s32 $0xFFFFFEF7, lr;
	s5 =	simm.s32 $0xFFFFFFFF;
	p2 =	slt.u32 s8, $0xFFFFF086  }
0x1c: {  	p1 =	slt.u32 s9, $0xF7A;
	s5 =	simm.s32 @!p2 $0x0  }
0x1d: {  	s5 =	simm.s32 @p1 $0x1;
	p0 =	seq.s32 s7, s2  }
0x1e: {  	s7 =	smul.u32 @!p0 $0xF7A, s2;
	p2 =	seq.s32 @!p0 s5, $0x0  }
0x1f: {  	s9 =	smul.u32 $0xF7A, s1;
	s8 =	simm.s32 @!p0 $0x1BF5;
	p2 =	por !p2, p0  }
0x20: {  	[sflag:s8] =	ssyncset.s32 @!p0 $0xFFFFF086;
	s6 =	sadd.s32 @!p0 s3, s7;
	s7 =	simm.s32 @!p0 $0x108  }
0x21: {  	s3 =	sadd.s32 s3, s9;
	s6 =	sadd.s32 @!p0 $0x88, s6;
	s7 =	simm.s32 @p2 $0x1082  }
0x22: {  	[simem:s7], [sflag:s8] =	dma.local @!p0 [hbm:s6], $0xF7A  }
0x23: {  	s9 =	sor.u32 $0xD0000000, s2;
	s6 =	simm.s32 $0x108;
	_ =	swait.ge @!p0 [sflag:s8], $0x0  }
0x24: {  	s3 =	sadd.s32 $0x88, s3;
	s6 =	simm.s32 @!p1 $0x1082;
	[sflag:s4] =	ssyncset.s32 $0xFFFFF086  }
0x25: {  	[simem:s6], [sflag:s4] =	dma.local [hbm:s3], $0xF7A  }
0x26: {  	[smem:$0x3F8B] =	sst s1;
	(tag) =	ssettag s2;
	_ =	strace s9  }
0x27: {  	s1 =	sld [smem:$0x3F9B]  }
0x28: {  	s2 =	sld [smem:$0x3F9C]  }
0x29: {  	s4 =	sld [smem:$0x3F9E]  }
0x2a: {  	p0 =	seq.s32 s5, $0x0;
	s5 =	sld [smem:$0x3F9F]  }
0x2b: {  	s6 =	sld [smem:$0x3FA0]  }
0x2c: {  	s7 =	sld [smem:$0x3FA1]  }
0x2d: {  	s3 =	simm.s32 $0x108;
	s8 =	sld [smem:$0x3FA2]  }
0x2e: {  	s3 =	simm.s32 @!p0 $0x1082;
	s9 =	sld [smem:$0x3FA3]  }
0x2f: {  	lr =	sadd.s32 s0, s3;
	s0 =	sld [smem:$0x3F9A]  }
0x30: {  	s3 =	sld [smem:$0x3F9D]  }
0x31: {  	[smem:$0x3FA6] =	sst s10  }
0x32: {  	s10 =	sld [smem:$0x3FA4];
	_ =	sdelay $0x3  }
0x33: {  	p0 =	seq.s32 s10, $0x1;
	s10 =	sld [smem:$0x3FA6];
	_ =	sdelay $0x3  }
0x34: {  	[smem:$0x3FA6] =	sst s10  }
0x35: {  	s10 =	sld [smem:$0x3FA5];
	_ =	sdelay $0x3  }
0x36: {  	p1 =	seq.s32 s10, $0x1;
	s10 =	sld [smem:$0x3FA6];
	_ =	sdelay $0x3  }
0x37: {  	[smem:$0x3FA6] =	sst s10  }
0x38: {  	s10 =	sld [smem:$0x3FA7]  }
0x39: {  	_ = 	snop;
	(pc) =	sbr.ind lr, $3  }
0x3a: {  	_ = 	snop  }
0x3b: {  	_ = 	snop  }
0x3c: {  	p2 =	seq.s32 s10, $0x1;
	s10 =	sld [smem:$0x3FA6]  }
0x3d: {  	_ =	shalt  }
0x3e: {  	_ =	shalt  }
0x3f: {  	_ =	shalt  }
0x40: {  	_ =	shalt  }
0x41: {  	_ =	shalt  }
0x42: {  	_ =	shalt  }
0x43: {  	_ =	shalt  }
0x44: {  	_ =	shalt  }
0x45: {  	_ =	shalt  }
0x46: {  	_ =	shalt  }
0x47: {  	_ =	shalt  }
0x48: {  	_ =	shalt  }
0x49: {  	_ =	shalt  }
0x4a: {  	_ =	shalt  }
0x4b: {  	_ =	shalt  }
0x4c: {  	_ =	shalt  }
0x4d: {  	_ =	shalt  }
0x4e: {  	_ =	shalt  }
0x4f: {  	_ =	shalt  }
0x50: {  	_ =	shalt  }
0x51: {  	_ =	shalt  }
0x52: {  	_ =	shalt  }
0x53: {  	_ =	shalt  }
0x54: {  	_ =	shalt  }
0x55: {  	_ =	shalt  }
0x56: {  	_ =	shalt  }
0x57: {  	_ =	shalt  }
0x58: {  	_ =	shalt  }
0x59: {  	_ =	shalt  }
0x5a: {  	_ =	shalt  }
0x5b: {  	_ =	shalt  }
0x5c: {  	_ =	shalt  }
0x5d: {  	_ =	shalt  }
0x5e: {  	_ =	shalt  }
0x5f: {  	_ =	shalt  }
0x60: {  	_ =	shalt  }
0x61: {  	_ =	shalt  }
0x62: {  	_ =	shalt  }
0x63: {  	_ =	shalt  }
0x64: {  	_ =	shalt  }
0x65: {  	_ =	shalt  }
0x66: {  	_ =	shalt  }
0x67: {  	_ =	shalt  }
0x68: {  	_ =	shalt  }
0x69: {  	_ =	shalt  }
0x6a: {  	_ =	shalt  }
0x6b: {  	_ =	shalt  }
0x6c: {  	_ =	shalt  }
0x6d: {  	_ =	shalt  }
0x6e: {  	_ =	shalt  }
0x6f: {  	_ =	shalt  }
0x70: {  	_ =	shalt  }
0x71: {  	_ =	shalt  }
0x72: {  	_ =	shalt  }
0x73: {  	_ =	shalt  }
0x74: {  	_ =	shalt  }
0x75: {  	_ =	shalt  }
0x76: {  	_ =	shalt  }
0x77: {  	_ =	shalt  }
0x78: {  	_ =	shalt  }
0x79: {  	_ =	shalt  }
0x7a: {  	_ =	shalt  }
0x7b: {  	_ =	shalt  }
0x7c: {  	_ =	shalt  }
0x7d: {  	_ =	shalt  }
0x7e: {  	_ =	shalt  }
0x7f: {  	_ =	shalt  }
0x80: {  	_ =	shalt  }
0x81: {  	_ =	shalt  }
0x82: {  	_ =	shalt  }
0x83: {  	_ =	shalt  }
0x84: {  	_ =	shalt  }
0x85: {  	_ =	shalt  }
0x86: {  	_ =	shalt  }
0x87: {  	_ =	shalt  }
.Lfunc_end0:
.L_simem_size_0:
called_computation_lowered:
.L_overlay_start_0:
0x88: {  	s2 =	sld [smem:$0x3FD9]  }
0x89: {  	s3 =	sld [smem:$0x3FFE];
	_ =	sdelay $0x1  }
0x8a: {  	s1 =	srdreg.scid  }
0x8b: {  	s0 =	sand.u32 $0x1, s1  }
0x8c: {  	s14 =	sshll.u32 s0, $0xA;
	s2 =	sadd.s32 s3, s2  }
0x8d: {  	s2 =	sadd.s32 s2, s14  }
0x8e: {  	[smem:$0x3FB2] =	sst s2  }
0x8f: {  	_ = 	snop  }
0x90: {  	s2 =	sld [smem:$0x3FD0];
	_ =	sdelay $0x2  }
0x91: {  	s15 =	simm.s32 $0xA;
	s4 =	simm.s32 $0x10  }
0x92: {  	[smem:s4], [sflag:s15] =	dma.local [hbm:s2], $0x1  }
0x93: {  	_ =	swait.eq [sflag:s15], $0x1  }
0x94: {  	[sflag:s15] =	ssyncset.done $0x0  }
0x95: {  	[sflag:s15] =	ssyncadd.s32 $0xFFFFFFFF  }
0x96: {  	s16 =	sld [smem:$0x10];
	(tm) =	ssettm $0x1  }
0x97: {  	s17 =	sld [smem:$0x3FFB];
	_ =	sdelay $0x3  }
0x98: {  	_ =	strace s17  }
0x99: {  	s3 =	sld [smem:$0x3FFC];
	_ =	sdelay $0x3  }
0x9a: {  	_ =	strace s3  }
0x9b: {  	s3 =	sld [smem:$0x3FFD];
	_ =	sdelay $0x3  }
0x9c: {  	_ =	strace s3  }
0x9d: {  	_ =	strace $0x8FFFFFFF  }
0x9e: {  	s18 =	sld [smem:$0x3FDB];
	_ =	sdelay $0x1  }
0x9f: {  	s19 =	simm.s32 $_scs_section_size  }
0xa0: {  	s5 =	simm.s32 $_size__tile_overlayer_lowered;
	s6 =	simm.s32 $_tile_overlayer_lowered  }
0xa1: {  	s22 =	simm.s32 $0x1BFF;
	s21 =	sshll.u32 s6, $0x1;
	s3 =	sadd.s32 s19, s18  }
0xa2: {  	s7 =	simm.s32 $0x0;
	s20 =	sshll.u32 s5, $0x1;
	s5 =	sadd.s32 s21, s3  }
0xa3: {  	[timem:s7], [sflag:s22] =	dma.local [hbm:s5], s20  }
0xa4: {  	_ =	swait.ge [sflag:s22], s20  }
0xa5: {  	s4 =	ssub.s32 $0x0, s20;
	[sflag:s22] =	ssyncset.done $0x0  }
0xa6: {  	[sflag:s22] =	ssyncadd.s32 s4;
	_ =	sdelay $0x1  }
0xa7: {  	s23 =	simm.s32 $0x1B8B  }
0xa8: {  	_ =	swait.ge [sflag:s23], $0x1  }
0xa9: {  	[sflag:s23] =	ssyncset.done $0x0  }
0xaa: {  	s25 =	simm.s32 $0x1B8E;
	s24 =	sld [smem:$0x3FFE];
	[sflag:s23] =	ssyncadd.s32 $0xFFFFFFFF  }
0xab: {  	s26 =	simm.s32 $execute0_lowered;
	[smem:$0x3FD2] =	sst s25  }
0xac: {  	s5 =	sshll.u32 s26, $0x1;
	_ =	strace $0x80000046;
	[dreg:$0x1] =	wrdreg $0xFFFFFFFF  }
0xad: {  	s28 =	simm.s32 $_size_execute0_lowered;
	s3 =	sadd.s32 s3, s5;
	[dreg:$0x0] =	wrdreg $0x0  }
0xae: {  	s5 =	sshll.u32 s28, $0x1;
	[dreg:$0x2] =	wrdreg s3  }
0xaf: {  	[dreg:$0x3] =	wrdreg s5  }
0xb0: {  	[dreg:$0x4] =	wrdreg $0xC0  }
0xb1: {  	_ =	task [dreg:s7], $0x5FFFF  }
0xb2: {  	[dreg:$0x1] =	wrdreg $0xFFFFFFFF  }
0xb3: {  	[dreg:$0x0] =	wrdreg $0x60  }
0xb4: {  	[dreg:$0x2] =	wrdreg s24  }
0xb5: {  	[dreg:$0x3] =	wrdreg s16  }
0xb6: {  	[dreg:$0x4] =	wrdreg $0x9  }
0xb7: {  	_ =	task.clear_ibuf [dreg:s7], $0x5FFFF;
	_ =	strace $0x90000046  }
0xb8: {  	s29 =	simm.s32 $0x9;
	_ =	strace $0x80000048  }
0xb9: {  	_ =	swait.ge [sflag:s29], $0x1  }
0xba: {  	[sflag:s29] =	ssyncadd.s32 $0xFFFFFFFF  }
0xbb: {  	_ =	strace $0x90000048  }
0xbc: {  	_ =	sfence  }
0xbd: {  	s30 =	sld [smem:$0x0];
	_ =	sdelay $0x2  }
0xbe: {  	s31 =	sshll.u32 s1, $0xD;
	s1 =	sshrl.u32 s1, $0x2  }
0xbf: {  	s3 =	sand.u32 $0x4000, s31;
	s1 =	sadd.s32 s1, s30  }
0xc0: {  	s0 =	sor.u32 s3, s0;
	s1 =	sshll.u32 s1, $0x11  }
0xc1: {  	s0 =	sor.u32 s1, s0  }
0xc2: {  	s0 =	sadd.s32 $0x8F2B, s0  }
0xc3: {  	[sflag:s0] =	ssyncadd.remote.s32 $0x1  }
0xc4: {  	_ =	sfence.sel $0xFFFF  }
0xc5: {  	[dreg:$0x0] =	wrdreg $0xFFFFFFFF;
	(pc) =	sbr.abs _section_cstart, $3  }
0xc6: {  	[dreg:$0x1] =	wrdreg $0xFFFFFFFF  }
0xc7: {  	_ =	task.clear_ibuf [dreg:s7], $0x2FFFF;
	_ =	strace $0x9FFFFFFF  }
0xc8: {  	(tm) =	ssettm $0x7FFFFFFF  }
0xc9: {  	_ =	shalt  }
tec
execute0_lowered:
.L_overlay_start_1:
0x0: {  	(tag) =	ssettag $0x1  }
0x1: {  	s1 =	srdreg.scid;
	s0 =	stileid.u32  }
0x2: {  	s29 =	rddreg [dreg:$0x0];
	s28 =	sand.u32 $0x1, s1;
	s4 =	sshll.u32 s0, $0x1  }
0x3: {  	s3 =	rddreg [dreg:$0x1];
	s2 =	simm.s32 $0x0;
	s30 =	sor.u32 s28, s4  }
0x4: {  	s5 =	simm.s32 $0x19640;
	[smem:$0x7FF] =	sst s2;
	s4 =	sshll.u32 s30, $0x1  }
0x5: {  	_ =	strace $0x80000047;
	s3 =	sadd.s32 s3, s4;
	s4 =	simm.s32 $0x6  }
0x6: {  	[tilespmem:s5], [sflag:$0x6] =	stream.linear.gather [hbm4b:s3+s2], $0x10, $0x38;
	[tilespmem:$0x19A50] =	vst v63  }
0x7: {  	s7 =	simm.s32 $0x10;
	s10 =	smul.u32 $0x640, s30;
	_ =	swait.ge [sflag:s4], $0x10  }
0x8: {  	s8 =	simm.s32 $0x19650;
	s13 =	sadd.s32 $0x17200, s29;
	[sflag:s4] =	ssyncset.done $0x0  }
0x9: {  	s6 =	sadd.s32 $0x3800, s29;
	s9 =	sshrl.u32 s10, $0x3;
	[sflag:s4] =	ssyncadd.s32 $0xFFFFFFF0  }
0xa: {  	[tilespmem:s8], [sflag:$0x5] =	stream.indirect.gather [hbm4b:s6+s7], $0x40, s5, s7, $0xb8;
	[tilespmem:$0x19A50] =	vst v63  }
0xb: {  	s9 =	sadd.s32 s13, s9  }
0xc: {  	[tilespmem:s2], [sflag:$0x6] =	stream.linear.gather [hbm4b:s9+s2], $0x320, $0x38;
	[tilespmem:$0x19A50] =	vst v63  }
0xd: {  	s11 =	simm.s32 $0x320;
	_ =	swait.ge [sflag:s4], $0x320  }
0xe: {  	s12 =	simm.s32 $0x640;
	s22 =	sadd.s32 $0x320, s10;
	[sflag:s4] =	ssyncset.done $0x0  }
0xf: {  	s10 =	sadd.s32 $0x18A400, s29;
	s14 =	sshrl.u32 s22, $0x3;
	[sflag:s4] =	ssyncadd.s32 $0xFFFFFCE0  }
0x10: {  	[tilespmem:s12], [sflag:$0x1] =	stream.indirect.gather [hbm4b:s10+s11], $0x40, s2, s11, $0xb8;
	[tilespmem:$0x19A50] =	vst v63  }
0x11: {  	s13 =	sadd.s32 s13, s14  }
0x12: {  	[tilespmem:s11], [sflag:$0x6] =	stream.linear.gather [hbm4b:s13+s2], $0x320, $0x38;
	[tilespmem:$0x19A50] =	vst v63  }
0x13: {  	_ =	swait.ge [sflag:s4], $0x320  }
0x14: {  	[sflag:s4] =	ssyncset.done $0x0  }
0x15: {  	s15 =	simm.s32 $0x1;
	s14 =	simm.s32 $0xCE40;
	[sflag:s4] =	ssyncadd.s32 $0xFFFFFCE0  }
0x16: {  	[tilespmem:s14], [sflag:$0x2] =	stream.indirect.gather [hbm4b:s10+s11], $0x40, s11, s11, $0xb8;
	[tilespmem:$0x19A50] =	vst v63  }
0x17: {  	s16 =	simm.s32 $0x40;
	s25 =	smul.u32 $0x6400, s30;
	_ =	swait.ge [sflag:s15], $0xC800  }
0x18: {  	s18 =	simm.s32 $0x80;
	s23 =	sadd.s32 $0x1A400, s29;
	[sflag:s15] =	ssyncset.done $0x0  }
0x19: {  	s19 =	simm.s32 $0x3;
	s17 =	sadd.s32 s23, s25;
	[sflag:s15] =	ssyncadd.s32 $0xFFFF3800  }
0x1a: {  	[hbm4b:s17+s16] =	stream.strided.scatter [tilespmem:s12], [sflag:$0x3], $0xC800, s18, s16, $0x38;
	[tilespmem:$0x19A50] =	vst v63  }
0x1b: {  	_ =	swait.ge [sflag:s19], $0xC800  }
0x1c: {  	[sflag:s19] =	ssyncset.done $0x0  }
0x1d: {  	s20 =	sadd.s32 $0x1900, s9;
	[sflag:s19] =	ssyncadd.s32 $0xFFFF3800  }
0x1e: {  	[tilespmem:s2], [sflag:$0x6] =	stream.linear.gather [hbm4b:s20+s2], $0x320, $0x38;
	[tilespmem:$0x19A50] =	vst v63  }
0x1f: {  	_ =	swait.ge [sflag:s4], $0x320  }
0x20: {  	[sflag:s4] =	ssyncset.done $0x0  }
0x21: {  	s21 =	simm.s32 $0x2;
	[sflag:s4] =	ssyncadd.s32 $0xFFFFFCE0  }
0x22: {  	[tilespmem:s12], [sflag:$0x1] =	stream.indirect.gather [hbm4b:s10+s11], $0x40, s2, s11, $0xb8;
	[tilespmem:$0x19A50] =	vst v63  }
0x23: {  	_ =	swait.ge [sflag:s21], $0xC800  }
0x24: {  	s26 =	sshll.u32 s22, $0x4;
	[sflag:s21] =	ssyncset.done $0x0  }
0x25: {  	s22 =	sadd.s32 s23, s26;
	s23 =	simm.s32 $0x4;
	[sflag:s21] =	ssyncadd.s32 $0xFFFF3800  }
0x26: {  	[hbm4b:s22+s16] =	stream.strided.scatter [tilespmem:s14], [sflag:$0x4], $0xC800, s18, s16, $0x38;
	[tilespmem:$0x19A50] =	vst v63  }
0x27: {  	_ =	swait.ge [sflag:s23], $0xC800  }
0x28: {  	[sflag:s23] =	ssyncset.done $0x0  }
0x29: {  	s24 =	sadd.s32 $0x1964, s9;
	[sflag:s23] =	ssyncadd.s32 $0xFFFF3800  }
0x2a: {  	[tilespmem:s11], [sflag:$0x6] =	stream.linear.gather [hbm4b:s24+s2], $0x320, $0x38;
	[tilespmem:$0x19A50] =	vst v63  }
0x2b: {  	_ =	swait.ge [sflag:s4], $0x320  }
0x2c: {  	[sflag:s4] =	ssyncset.done $0x0  }
0x2d: {  	[sflag:s4] =	ssyncadd.s32 $0xFFFFFCE0  }
0x2e: {  	[tilespmem:s14], [sflag:$0x2] =	stream.indirect.gather [hbm4b:s10+s11], $0x40, s11, s11, $0xb8;
	[tilespmem:$0x19A50] =	vst v63  }
0x2f: {  	_ =	swait.ge [sflag:s15], $0xC800  }
0x30: {  	s31 =	sadd.s32 $0x1A408, s29;
	[sflag:s15] =	ssyncset.done $0x0  }
0x31: {  	s25 =	sadd.s32 s25, s31;
	[sflag:s15] =	ssyncadd.s32 $0xFFFF3800  }
0x32: {  	[hbm4b:s25+s16] =	stream.strided.scatter [tilespmem:s12], [sflag:$0x3], $0xC800, s18, s16, $0x38;
	[tilespmem:$0x19A50] =	vst v63  }
0x33: {  	_ =	swait.ge [sflag:s21], $0xC800  }
0x34: {  	p0 =	sgt.u32 s0, $0x7;
	s1 =	simm.s32 $0x40;
	[sflag:s21] =	ssyncset.done $0x0  }
0x35: {  	s26 =	sadd.s32 s26, s31;
	s31 =	simm.s32 $0xFFFF8000;
	[sflag:s21] =	ssyncadd.s32 $0xFFFF3800  }
0x36: {  	[hbm4b:s26+s16] =	stream.strided.scatter [tilespmem:s14], [sflag:$0x4], $0xC800, s18, s16, $0x38;
	[tilespmem:$0x19A50] =	vst v63  }
0x37: {  	s30 =	sshll.u32 s30, $0xB;
	s31 =	simm.s32 @!p0 $0x7;
	_ =	swait.ge [sflag:s19], $0xC800  }
0x38: {  	s1 =	simm.s32 @!p0 $0x7;
	s30 =	sadd.s32 s31, s30;
	[sflag:s19] =	ssyncset.done $0x0  }
0x39: {  	s1 =	sor.u32 s1, s30;
	s30 =	ssub.s32 $0x2, s28;
	[sflag:s19] =	ssyncadd.s32 $0xFFFF3800  }
0x3a: {  	s31 =	sshrl.u32 s30, $0x1;
	_ =	swait.ge [sflag:s23], $0xC800  }
0x3b: {  	s30 =	ssub.s32 s30, s31;
	[sflag:s23] =	ssyncset.done $0x0  }
0x3c: {  	s28 =	simm.s32 $0x5;
	s31 =	smax.u32 s30, $0x1;
	[sflag:s23] =	ssyncadd.s32 $0xFFFF3800  }
0x3d: {  	s1 =	sshrl.u32 s1, $0x3;
	p0 =	sne.s32 s31, $0x1;
	_ =	swait.ge [sflag:s28], $0x400  }
.Ltmp0:
0x3e: {  	s1 =	sadd.s32 s1, s29;
	[sflag:s28] =	ssyncset.done $0x0;
	(pc) =	sbr.rel @!p0 .LBB2_2-.Ltmp0, $4  }
0x3f: {  	s29 =	sadd.s32 $0xE2400, s1;
	[sflag:s28] =	ssyncadd.s32 $0xFFFFFC00  }
0x40: {  	[hbm4b:s29+s16] =	stream.strided.scatter [tilespmem:s8], [sflag:$0x6], $0x400, s18, s16, $0x38;
	[tilespmem:$0x19A50] =	vst v63  }
0x41: {  	_ =	swait.ge [sflag:s4], $0x400  }
0x42: {  	s30 =	sadd.s32 $0xFFFFFFFF, s31;
	[sflag:s4] =	ssyncset.done $0x0  }
.LBB2_1:
0x43: {  	p0 =	sne.s32 s30, $0x1;
	s30 =	sadd.s32 $0xFFFFFFFF, s30;
	[sflag:s4] =	ssyncadd.s32 $0xFFFFFC00  }
0x44: {  	[tilespmem:s5], [sflag:$0x6] =	stream.linear.gather [hbm4b:s3+s2], $0x10, $0x38;
	[tilespmem:$0x19A50] =	vst v63  }
0x45: {  	_ =	swait.ge [sflag:s4], $0x10  }
0x46: {  	[sflag:s4] =	ssyncset.done $0x0  }
0x47: {  	[sflag:s4] =	ssyncadd.s32 $0xFFFFFFF0  }
0x48: {  	[tilespmem:s8], [sflag:$0x5] =	stream.indirect.gather [hbm4b:s6+s7], $0x40, s5, s7, $0xb8;
	[tilespmem:$0x19A50] =	vst v63  }
0x49: {  	_ = 	snop  }
0x4a: {  	[tilespmem:s2], [sflag:$0x6] =	stream.linear.gather [hbm4b:s9+s2], $0x320, $0x38;
	[tilespmem:$0x19A50] =	vst v63  }
0x4b: {  	_ =	swait.ge [sflag:s4], $0x320  }
0x4c: {  	[sflag:s4] =	ssyncset.done $0x0  }
0x4d: {  	[sflag:s4] =	ssyncadd.s32 $0xFFFFFCE0  }
0x4e: {  	[tilespmem:s12], [sflag:$0x1] =	stream.indirect.gather [hbm4b:s10+s11], $0x40, s2, s11, $0xb8;
	[tilespmem:$0x19A50] =	vst v63  }
0x4f: {  	_ = 	snop  }
0x50: {  	[tilespmem:s11], [sflag:$0x6] =	stream.linear.gather [hbm4b:s13+s2], $0x320, $0x38;
	[tilespmem:$0x19A50] =	vst v63  }
0x51: {  	_ =	swait.ge [sflag:s4], $0x320  }
0x52: {  	[sflag:s4] =	ssyncset.done $0x0  }
0x53: {  	[sflag:s4] =	ssyncadd.s32 $0xFFFFFCE0  }
0x54: {  	[tilespmem:s14], [sflag:$0x2] =	stream.indirect.gather [hbm4b:s10+s11], $0x40, s11, s11, $0xb8;
	[tilespmem:$0x19A50] =	vst v63  }
0x55: {  	_ =	swait.ge [sflag:s15], $0xC800  }
0x56: {  	[sflag:s15] =	ssyncset.done $0x0  }
0x57: {  	[sflag:s15] =	ssyncadd.s32 $0xFFFF3800  }
0x58: {  	[hbm4b:s17+s16] =	stream.strided.scatter [tilespmem:s12], [sflag:$0x3], $0xC800, s18, s16, $0x38;
	[tilespmem:$0x19A50] =	vst v63  }
0x59: {  	_ =	swait.ge [sflag:s19], $0xC800  }
0x5a: {  	[sflag:s19] =	ssyncset.done $0x0  }
0x5b: {  	[sflag:s19] =	ssyncadd.s32 $0xFFFF3800  }
0x5c: {  	[tilespmem:s2], [sflag:$0x6] =	stream.linear.gather [hbm4b:s20+s2], $0x320, $0x38;
	[tilespmem:$0x19A50] =	vst v63  }
0x5d: {  	_ =	swait.ge [sflag:s4], $0x320  }
0x5e: {  	[sflag:s4] =	ssyncset.done $0x0  }
0x5f: {  	[sflag:s4] =	ssyncadd.s32 $0xFFFFFCE0  }
0x60: {  	[tilespmem:s12], [sflag:$0x1] =	stream.indirect.gather [hbm4b:s10+s11], $0x40, s2, s11, $0xb8;
	[tilespmem:$0x19A50] =	vst v63  }
0x61: {  	_ =	swait.ge [sflag:s21], $0xC800  }
0x62: {  	[sflag:s21] =	ssyncset.done $0x0  }
0x63: {  	[sflag:s21] =	ssyncadd.s32 $0xFFFF3800  }
0x64: {  	[hbm4b:s22+s16] =	stream.strided.scatter [tilespmem:s14], [sflag:$0x4], $0xC800, s18, s16, $0x38;
	[tilespmem:$0x19A50] =	vst v63  }
0x65: {  	_ =	swait.ge [sflag:s23], $0xC800  }
0x66: {  	[sflag:s23] =	ssyncset.done $0x0  }
0x67: {  	[sflag:s23] =	ssyncadd.s32 $0xFFFF3800  }
0x68: {  	[tilespmem:s11], [sflag:$0x6] =	stream.linear.gather [hbm4b:s24+s2], $0x320, $0x38;
	[tilespmem:$0x19A50] =	vst v63  }
0x69: {  	_ =	swait.ge [sflag:s4], $0x320  }
0x6a: {  	[sflag:s4] =	ssyncset.done $0x0  }
0x6b: {  	[sflag:s4] =	ssyncadd.s32 $0xFFFFFCE0  }
0x6c: {  	[tilespmem:s14], [sflag:$0x2] =	stream.indirect.gather [hbm4b:s10+s11], $0x40, s11, s11, $0xb8;
	[tilespmem:$0x19A50] =	vst v63  }
0x6d: {  	_ =	swait.ge [sflag:s15], $0xC800  }
0x6e: {  	[sflag:s15] =	ssyncset.done $0x0  }
0x6f: {  	[sflag:s15] =	ssyncadd.s32 $0xFFFF3800  }
0x70: {  	[hbm4b:s25+s16] =	stream.strided.scatter [tilespmem:s12], [sflag:$0x3], $0xC800, s18, s16, $0x38;
	[tilespmem:$0x19A50] =	vst v63  }
0x71: {  	_ =	swait.ge [sflag:s21], $0xC800  }
0x72: {  	[sflag:s21] =	ssyncset.done $0x0  }
0x73: {  	[sflag:s21] =	ssyncadd.s32 $0xFFFF3800  }
0x74: {  	[hbm4b:s26+s16] =	stream.strided.scatter [tilespmem:s14], [sflag:$0x4], $0xC800, s18, s16, $0x38;
	[tilespmem:$0x19A50] =	vst v63  }
0x75: {  	_ =	swait.ge [sflag:s19], $0xC800  }
0x76: {  	[sflag:s19] =	ssyncset.done $0x0  }
0x77: {  	[sflag:s19] =	ssyncadd.s32 $0xFFFF3800  }
0x78: {  	_ =	swait.ge [sflag:s23], $0xC800  }
0x79: {  	[sflag:s23] =	ssyncset.done $0x0  }
0x7a: {  	[sflag:s23] =	ssyncadd.s32 $0xFFFF3800  }
0x7b: {  	_ =	swait.ge [sflag:s28], $0x400  }
.Ltmp1:
0x7c: {  	[sflag:s28] =	ssyncset.done $0x0;
	(pc) =	sbr.rel @p0 .LBB2_1-.Ltmp1, $4  }
0x7d: {  	[sflag:s28] =	ssyncadd.s32 $0xFFFFFC00  }
0x7e: {  	[hbm4b:s29+s16] =	stream.strided.scatter [tilespmem:s8], [sflag:$0x6], $0x400, s18, s16, $0x38;
	[tilespmem:$0x19A50] =	vst v63  }
0x7f: {  	_ =	swait.ge [sflag:s4], $0x400  }
0x80: {  	[sflag:s4] =	ssyncset.done $0x0  }
.LBB2_2:
0x81: {  	[sflag:s4] =	ssyncadd.s32 $0xFFFFFC00  }
0x82: {  	_ =	sfence.sel $0x180000  }
0x83: {  	[bflag:$0x0] =	sbarrier.arrive $0xFFFF  }
0x84: {  	_ =	strace $0x90000047  }
0x85: {  	[bflag:$0x2] =	sbarrier.arrive $0xFFFF  }
0x86: {  	p0 =	sne.s32 s0, $0x0;
	s0 =	rddreg [dreg:$0x2]  }
0x87: {  	s0 =	sadd.s32 @!p0 $0x100000, s0  }
0x88: {  	[sflag:s0] =	ssyncadd.tile.s32 @!p0 $0x1;
	_ =	shalt  }
.Lfunc_end2:
_tile_overlayer_lowered:
.L_overlay_start_2:
0x89: {  	(tag) =	ssettag $0x2  }
0x8a: {  	s0 =	rddreg [dreg:$0x0];
	s2 =	stileid.u32  }
0x8b: {  	s1 =	rddreg [dreg:$0x1];
	p0 =	sne.s32 s2, $0x0  }
0x8c: {  	s3 =	rddreg [dreg:$0x2];
	[bflag:$0x3] =	sbarrier.arrive $0xFFFF;
	s2 =	simm.s32 @!p0 $0x1C06  }
0x8d: {  	[timem:s3], [sflag:s2] =	dma.local @!p0 [hbm:s0], s1  }
0x8e: {  	s0 =	simm.s32 @!p0 $0x6  }
0x8f: {  	_ =	swait.ge @!p0 [sflag:s0], s1  }
0x90: {  	s1 =	ssub.s32 @!p0 $0x0, s1;
	[sflag:s0] =	ssyncset.done @!p0 $0x0  }
0x91: {  	[sflag:s0] =	ssyncadd.s32 @!p0 s1  }
0x92: {  	[bflag:$0x3] =	sbarrier.arrive $0xFFFF  }
0x93: {  	_ =	shalt  }

</sc_bundles>
